<compile_context>
chip_gen: v7x
topology: tpu7x:2x2x1
jax: 0.10.2.dev20260603
libtpu: 0.0.44.dev20260713+nightly
codegen_flags: <defaults>
</compile_context>

<pallas_src>
import functools
import numpy as np
import jax
import jax.numpy as jnp
from jax import lax
from jax.experimental import pallas as pl
from jax.experimental.pallas import tpu as pltpu
from jax.experimental.pallas import tpu_sc as plsc

_B, _L, _C = 4096, 200, 21
_NS = 100
_SPT = 8
_NW = 32

_tab = np.zeros((_C, 32), np.float32)
for _v in range(1, 22):
    _tab[_v - 1, _v] = 1.0
for _c, _v in ((2, 22), (11, 22), (3, 23), (13, 23), (7, 24), (9, 24)):
    _tab[_c, _v] = 0.5
_TABLE = _tab.reshape(-1)

_mesh = plsc.VectorSubcoreMesh(core_axis_name="c", subcore_axis_name="s")


@functools.partial(
    pl.kernel,
    out_type=jax.ShapeDtypeStruct((_C * _NS, _SPT, 1024), jnp.float32),
    mesh=_mesh,
    compiler_params=pltpu.CompilerParams(needs_layout_passes=False),
    scratch_types=[
        pltpu.VMEM((_SPT, 1024), jnp.int32),
        pltpu.VMEM((_SPT, 1024), jnp.float32),
        pltpu.VMEM((_C * 32,), jnp.float32),
    ],
)
def _sc_lookup(tab_hbm, seq_hbm, out_hbm, tok_v, stage_v, tab_v):
    wid = lax.axis_index("s") * 2 + lax.axis_index("c")
    pltpu.sync_copy(tab_hbm, tab_v)

    def process_span(s):
        pltpu.sync_copy(seq_hbm.at[s], tok_v)

        def c_body(c, carry):
            def t_body(t, carry):
                base = c * 32
                for j in range(64):
                    v16 = tok_v[t, pl.ds(j * 16, 16)]
                    vals = plsc.load_gather(tab_v, [v16 + base])
                    stage_v[t, pl.ds(j * 16, 16)] = vals
                return carry

            carry = lax.fori_loop(0, _SPT, t_body, carry)
            pltpu.sync_copy(stage_v, out_hbm.at[c * _NS + s])
            return carry

        lax.fori_loop(0, _C, c_body, 0)

    def span_loop(r, carry):
        s = wid + r * _NW

        @pl.when(s < _NS)
        def _():
            process_span(s)

        return carry

    lax.fori_loop(0, (_NS + _NW - 1) // _NW, span_loop, 0)


def kernel(sequence):
    seq_t = sequence.T
    seq_spans = (
        seq_t.reshape(25, 8, 32, 128)
        .transpose(0, 2, 1, 3)
        .reshape(_NS, _SPT, 1024)
    )
    out_spans = _sc_lookup(jnp.asarray(_TABLE), seq_spans)
    out_t = (
        out_spans.reshape(_C, 25, 32, 8, 128)
        .transpose(0, 1, 3, 2, 4)
        .reshape(_C, _L, _B)
    )
    return out_t.transpose(2, 1, 0)

# --- scband reference (transcript-rebuilt; emitter-appended) ---
"""Pipeline reference for scband-pseudo-one-hot-encoding-9414568312899 (READ-ONLY COPY).

The authoritative reference and input builder live on the scoring server;
editing this copy changes nothing except your own understanding.
"""

import jax, jax.numpy as jnp
import numpy as np

B, L = 4096, 200


def setup_inputs(seed: int = 0) -> dict:
    key = jax.random.key(seed)
    sequence = jax.random.randint(key, (B, L), 0, 27, dtype=jnp.int32)
    return {"sequence": sequence}


def reference(sequence):
    # one-hot over 27 classes, keep columns 1:25 (24 dims)
    x = jax.nn.one_hot(sequence, 27, dtype=jnp.float32)
    x = x[:, :, 1:25]
    # B = 0.5 D + 0.5 N  (indices 2 and 11 within the 24-dim slice)
    b = jnp.zeros((24,), dtype=jnp.float32).at[2].set(0.5).at[11].set(0.5)
    x = jnp.where((x[:, :, 21] == 1)[..., None], b, x)
    # Z = 0.5 E + 0.5 Q  (indices 3 and 13)
    z = jnp.zeros((24,), dtype=jnp.float32).at[3].set(0.5).at[13].set(0.5)
    x = jnp.where((x[:, :, 22] == 1)[..., None], z, x)
    # J = 0.5 I + 0.5 L  (indices 7 and 9)
    j = jnp.zeros((24,), dtype=jnp.float32).at[7].set(0.5).at[9].set(0.5)
    x = jnp.where((x[:, :, 23] == 1)[..., None], j, x)
    return x[:, :, :21]

if __name__ == "__main__":
    import jax
    _d = setup_inputs()
    print(jax.jit(kernel)(*tuple(_d.values())))

</pallas_src>

<mosaic_0001>
#map = affine_map<(d0, d1) -> (0)>
#map1 = affine_map<(d0, d1) -> (0, 0, 0)>
module attributes {stable_mosaic.version = 14 : i64} {
  func.func @_sc_lookup(%arg0: i32, %arg1: i32, %arg2: memref<672xf32, #tpu.memory_space<hbm>>, %arg3: memref<100x8x1024xi32, #tpu.memory_space<hbm>>, %arg4: memref<2100x8x1024xf32, #tpu.memory_space<hbm>>, %arg5: memref<8x1024xi32, #tpu.memory_space<vmem>>, %arg6: memref<8x1024xf32, #tpu.memory_space<vmem>>, %arg7: memref<672xf32, #tpu.memory_space<vmem>>) attributes {dimension_semantics = [#tpu.dimension_semantics<core_parallel>, #tpu.dimension_semantics<subcore_parallel>], iteration_bounds = array<i64: 2, 16>, scalar_prefetch = 0 : i64, scratch_operands = 3 : i64, tpu.core_type = #tpu.core_type<sc_vector_subcore>, window_params = [{transform_indices = #map}, {transform_indices = #map1}, {transform_indices = #map1}]} {
    %mul3A = arith.constant 2 : i32
    %mul3A_0 = arith.muli %arg1, %mul3A : i32
    %add3A = arith.addi %mul3A_0, %arg0 : i32
    "tpu.region"() ({
      %run_scoped3A = tpu.sem_alloc : memref<!tpu.dma_semaphore, #tpu.memory_space<semaphore_mem>>
      tpu.enqueue_dma source(%arg2 : memref<672xf32, #tpu.memory_space<hbm>>) target(%arg7 : memref<672xf32, #tpu.memory_space<vmem>>) target_semaphore(%run_scoped3A : memref<!tpu.dma_semaphore, #tpu.memory_space<semaphore_mem>>)
      tpu.wait_dma2 semaphore(%run_scoped3A : memref<!tpu.dma_semaphore, #tpu.memory_space<semaphore_mem>>) src(%arg2 : memref<672xf32, #tpu.memory_space<hbm>>) dst(%arg7 : memref<672xf32, #tpu.memory_space<vmem>>)
      tpu.yield
    }) : () -> ()
    %scan3A = arith.constant 0 : i32
    %scan3A_1 = arith.constant 0 : i32
    %scan3A_2 = arith.constant 4 : i32
    %scan3A_3 = arith.addi %scan3A_1, %scan3A_2 : i32
    %scan3A_4 = arith.constant 1 : i32
    scf.for %scan3A_6 = %scan3A_1 to %scan3A_3 step %scan3A_4  : i32 {
      %mul3A_7 = arith.constant 32 : i32
      %mul3A_8 = arith.muli %scan3A_6, %mul3A_7 : i32
      %add3A_9 = arith.addi %add3A, %mul3A_8 : i32
      %lt3A = arith.constant 100 : i32
      %lt3A_10 = arith.cmpi slt, %add3A_9, %lt3A : i32
      %convert_element_type3A = arith.extui %lt3A_10 : i1 to i32
      %cond3A = arith.constant 0 : i32
      %cond3A_11 = arith.cmpi ne, %convert_element_type3A, %cond3A : i32
      scf.if %cond3A_11 {
        "tpu.region"() ({
          %run_scoped3A = tpu.sem_alloc : memref<!tpu.dma_semaphore, #tpu.memory_space<semaphore_mem>>
          %dma_start3A = arith.constant 0 : i32
          %dma_start3A_18 = arith.constant 0 : i32
          %dma_start3A_19 = tpu.memref_slice %arg3[%add3A_9, %dma_start3A, %dma_start3A_18] : memref<100x8x1024xi32, #tpu.memory_space<hbm>> -> memref<1x8x1024xi32, #tpu.memory_space<hbm>>
          %dma_start3A_20 = tpu.memref_squeeze %dma_start3A_19 : memref<1x8x1024xi32, #tpu.memory_space<hbm>> -> memref<8x1024xi32, #tpu.memory_space<hbm>>
          %dma_start3A_21 = arith.constant 0 : i32
          %dma_start3A_22 = arith.constant 0 : i32
          %dma_start3A_23 = tpu.memref_slice %arg3[%add3A_9, %dma_start3A_21, %dma_start3A_22] : memref<100x8x1024xi32, #tpu.memory_space<hbm>> -> memref<1x8x1024xi32, #tpu.memory_space<hbm>>
          %dma_start3A_24 = tpu.memref_squeeze %dma_start3A_23 : memref<1x8x1024xi32, #tpu.memory_space<hbm>> -> memref<8x1024xi32, #tpu.memory_space<hbm>>
          tpu.enqueue_dma source(%dma_start3A_24 : memref<8x1024xi32, #tpu.memory_space<hbm>>) target(%arg5 : memref<8x1024xi32, #tpu.memory_space<vmem>>) target_semaphore(%run_scoped3A : memref<!tpu.dma_semaphore, #tpu.memory_space<semaphore_mem>>)
          %dma_wait3A = arith.constant 0 : i32
          %dma_wait3A_25 = arith.constant 0 : i32
          %dma_wait3A_26 = tpu.memref_slice %arg3[%add3A_9, %dma_wait3A, %dma_wait3A_25] : memref<100x8x1024xi32, #tpu.memory_space<hbm>> -> memref<1x8x1024xi32, #tpu.memory_space<hbm>>
          %dma_wait3A_27 = tpu.memref_squeeze %dma_wait3A_26 : memref<1x8x1024xi32, #tpu.memory_space<hbm>> -> memref<8x1024xi32, #tpu.memory_space<hbm>>
          %dma_wait3A_28 = arith.constant 0 : i32
          %dma_wait3A_29 = arith.constant 0 : i32
          %dma_wait3A_30 = tpu.memref_slice %arg3[%add3A_9, %dma_wait3A_28, %dma_wait3A_29] : memref<100x8x1024xi32, #tpu.memory_space<hbm>> -> memref<1x8x1024xi32, #tpu.memory_space<hbm>>
          %dma_wait3A_31 = tpu.memref_squeeze %dma_wait3A_30 : memref<1x8x1024xi32, #tpu.memory_space<hbm>> -> memref<8x1024xi32, #tpu.memory_space<hbm>>
          tpu.wait_dma2 semaphore(%run_scoped3A : memref<!tpu.dma_semaphore, #tpu.memory_space<semaphore_mem>>) src(%dma_wait3A_31 : memref<8x1024xi32, #tpu.memory_space<hbm>>) dst(%arg5 : memref<8x1024xi32, #tpu.memory_space<vmem>>)
          tpu.yield
        }) : () -> ()
        %scan3A_12 = arith.constant 0 : i32
        %scan3A_13 = arith.constant 0 : i32
        %scan3A_14 = arith.constant 21 : i32
        %scan3A_15 = arith.addi %scan3A_13, %scan3A_14 : i32
        %scan3A_16 = arith.constant 1 : i32
        scf.for %scan3A_18 = %scan3A_13 to %scan3A_15 step %scan3A_16  : i32 {
          %scan3A_19 = arith.constant 0 : i32
          %scan3A_20 = arith.constant 8 : i32
          %scan3A_21 = arith.addi %scan3A_19, %scan3A_20 : i32
          %scan3A_22 = arith.constant 1 : i32
          scf.for %scan3A_27 = %scan3A_19 to %scan3A_21 step %scan3A_22  : i32 {
            %mul3A_28 = arith.constant 32 : i32
            %mul3A_29 = arith.muli %scan3A_18, %mul3A_28 : i32
            %get3A = arith.index_cast %scan3A_27 : i32 to index
            %get3A_30 = arith.constant 0 : index
            %get3A_31 = tpu.vector_load %arg5[%get3A, %get3A_30] {strides = array<i32>} : memref<8x1024xi32, #tpu.memory_space<vmem>>, vector<16xi32>,
            %add3A_32 = vector.broadcast %mul3A_29 : i32 to vector<16xi32>
            %add3A_33 = arith.addi %get3A_31, %add3A_32 : vector<16xi32>
            %gather3A = tpu.vector_load_idx %arg7[%add3A_33] : memref<672xf32, #tpu.memory_space<vmem>>[vector<16xi32>], vector<16xf32>,
            %swap3A = arith.index_cast %scan3A_27 : i32 to index
            %swap3A_34 = arith.constant 0 : index
            %swap3A_35 = tpu.vector_load %arg6[%swap3A, %swap3A_34] {strides = array<i32>} : memref<8x1024xf32, #tpu.memory_space<vmem>>, vector<16xf32>,
            tpu.vector_store %arg6[%swap3A, %swap3A_34], %gather3A {strides = array<i32>} : memref<8x1024xf32, #tpu.memory_space<vmem>>, vector<16xf32>,
            %get3A_36 = arith.index_cast %scan3A_27 : i32 to index
            %get3A_37 = arith.constant 16 : index
            %get3A_38 = tpu.vector_load %arg5[%get3A_36, %get3A_37] {strides = array<i32>} : memref<8x1024xi32, #tpu.memory_space<vmem>>, vector<16xi32>,
            %add3A_39 = vector.broadcast %mul3A_29 : i32 to vector<16xi32>
            %add3A_40 = arith.addi %get3A_38, %add3A_39 : vector<16xi32>
            %gather3A_41 = tpu.vector_load_idx %arg7[%add3A_40] : memref<672xf32, #tpu.memory_space<vmem>>[vector<16xi32>], vector<16xf32>,
            %swap3A_42 = arith.index_cast %scan3A_27 : i32 to index
            %swap3A_43 = arith.constant 16 : index
            %swap3A_44 = tpu.vector_load %arg6[%swap3A_42, %swap3A_43] {strides = array<i32>} : memref<8x1024xf32, #tpu.memory_space<vmem>>, vector<16xf32>,
            tpu.vector_store %arg6[%swap3A_42, %swap3A_43], %gather3A_41 {strides = array<i32>} : memref<8x1024xf32, #tpu.memory_space<vmem>>, vector<16xf32>,
            %get3A_45 = arith.index_cast %scan3A_27 : i32 to index
            %get3A_46 = arith.constant 32 : index
            %get3A_47 = tpu.vector_load %arg5[%get3A_45, %get3A_46] {strides = array<i32>} : memref<8x1024xi32, #tpu.memory_space<vmem>>, vector<16xi32>,
            %add3A_48 = vector.broadcast %mul3A_29 : i32 to vector<16xi32>
            %add3A_49 = arith.addi %get3A_47, %add3A_48 : vector<16xi32>
            %gather3A_50 = tpu.vector_load_idx %arg7[%add3A_49] : memref<672xf32, #tpu.memory_space<vmem>>[vector<16xi32>], vector<16xf32>,
            %swap3A_51 = arith.index_cast %scan3A_27 : i32 to index
            %swap3A_52 = arith.constant 32 : index
            %swap3A_53 = tpu.vector_load %arg6[%swap3A_51, %swap3A_52] {strides = array<i32>} : memref<8x1024xf32, #tpu.memory_space<vmem>>, vector<16xf32>,
            tpu.vector_store %arg6[%swap3A_51, %swap3A_52], %gather3A_50 {strides = array<i32>} : memref<8x1024xf32, #tpu.memory_space<vmem>>, vector<16xf32>,
            %get3A_54 = arith.index_cast %scan3A_27 : i32 to index
            %get3A_55 = arith.constant 48 : index
            %get3A_56 = tpu.vector_load %arg5[%get3A_54, %get3A_55] {strides = array<i32>} : memref<8x1024xi32, #tpu.memory_space<vmem>>, vector<16xi32>,
            %add3A_57 = vector.broadcast %mul3A_29 : i32 to vector<16xi32>
            %add3A_58 = arith.addi %get3A_56, %add3A_57 : vector<16xi32>
            %gather3A_59 = tpu.vector_load_idx %arg7[%add3A_58] : memref<672xf32, #tpu.memory_space<vmem>>[vector<16xi32>], vector<16xf32>,
            %swap3A_60 = arith.index_cast %scan3A_27 : i32 to index
            %swap3A_61 = arith.constant 48 : index
            %swap3A_62 = tpu.vector_load %arg6[%swap3A_60, %swap3A_61] {strides = array<i32>} : memref<8x1024xf32, #tpu.memory_space<vmem>>, vector<16xf32>,
            tpu.vector_store %arg6[%swap3A_60, %swap3A_61], %gather3A_59 {strides = array<i32>} : memref<8x1024xf32, #tpu.memory_space<vmem>>, vector<16xf32>,
            %get3A_63 = arith.index_cast %scan3A_27 : i32 to index
            %get3A_64 = arith.constant 64 : index
            %get3A_65 = tpu.vector_load %arg5[%get3A_63, %get3A_64] {strides = array<i32>} : memref<8x1024xi32, #tpu.memory_space<vmem>>, vector<16xi32>,
            %add3A_66 = vector.broadcast %mul3A_29 : i32 to vector<16xi32>
            %add3A_67 = arith.addi %get3A_65, %add3A_66 : vector<16xi32>
            %gather3A_68 = tpu.vector_load_idx %arg7[%add3A_67] : memref<672xf32, #tpu.memory_space<vmem>>[vector<16xi32>], vector<16xf32>,
            %swap3A_69 = arith.index_cast %scan3A_27 : i32 to index
            %swap3A_70 = arith.constant 64 : index
            %swap3A_71 = tpu.vector_load %arg6[%swap3A_69, %swap3A_70] {strides = array<i32>} : memref<8x1024xf32, #tpu.memory_space<vmem>>, vector<16xf32>,
            tpu.vector_store %arg6[%swap3A_69, %swap3A_70], %gather3A_68 {strides = array<i32>} : memref<8x1024xf32, #tpu.memory_space<vmem>>, vector<16xf32>,
            %get3A_72 = arith.index_cast %scan3A_27 : i32 to index
            %get3A_73 = arith.constant 80 : index
            %get3A_74 = tpu.vector_load %arg5[%get3A_72, %get3A_73] {strides = array<i32>} : memref<8x1024xi32, #tpu.memory_space<vmem>>, vector<16xi32>,
            %add3A_75 = vector.broadcast %mul3A_29 : i32 to vector<16xi32>
            %add3A_76 = arith.addi %get3A_74, %add3A_75 : vector<16xi32>
            %gather3A_77 = tpu.vector_load_idx %arg7[%add3A_76] : memref<672xf32, #tpu.memory_space<vmem>>[vector<16xi32>], vector<16xf32>,
            %swap3A_78 = arith.index_cast %scan3A_27 : i32 to index
            %swap3A_79 = arith.constant 80 : index
            %swap3A_80 = tpu.vector_load %arg6[%swap3A_78, %swap3A_79] {strides = array<i32>} : memref<8x1024xf32, #tpu.memory_space<vmem>>, vector<16xf32>,
            tpu.vector_store %arg6[%swap3A_78, %swap3A_79], %gather3A_77 {strides = array<i32>} : memref<8x1024xf32, #tpu.memory_space<vmem>>, vector<16xf32>,
            %get3A_81 = arith.index_cast %scan3A_27 : i32 to index
            %get3A_82 = arith.constant 96 : index
            %get3A_83 = tpu.vector_load %arg5[%get3A_81, %get3A_82] {strides = array<i32>} : memref<8x1024xi32, #tpu.memory_space<vmem>>, vector<16xi32>,
            %add3A_84 = vector.broadcast %mul3A_29 : i32 to vector<16xi32>
            %add3A_85 = arith.addi %get3A_83, %add3A_84 : vector<16xi32>
            %gather3A_86 = tpu.vector_load_idx %arg7[%add3A_85] : memref<672xf32, #tpu.memory_space<vmem>>[vector<16xi32>], vector<16xf32>,
            %swap3A_87 = arith.index_cast %scan3A_27 : i32 to index
            %swap3A_88 = arith.constant 96 : index
            %swap3A_89 = tpu.vector_load %arg6[%swap3A_87, %swap3A_88] {strides = array<i32>} : memref<8x1024xf32, #tpu.memory_space<vmem>>, vector<16xf32>,
            tpu.vector_store %arg6[%swap3A_87, %swap3A_88], %gather3A_86 {strides = array<i32>} : memref<8x1024xf32, #tpu.memory_space<vmem>>, vector<16xf32>,
            %get3A_90 = arith.index_cast %scan3A_27 : i32 to index
            %get3A_91 = arith.constant 112 : index
            %get3A_92 = tpu.vector_load %arg5[%get3A_90, %get3A_91] {strides = array<i32>} : memref<8x1024xi32, #tpu.memory_space<vmem>>, vector<16xi32>,
            %add3A_93 = vector.broadcast %mul3A_29 : i32 to vector<16xi32>
            %add3A_94 = arith.addi %get3A_92, %add3A_93 : vector<16xi32>
            %gather3A_95 = tpu.vector_load_idx %arg7[%add3A_94] : memref<672xf32, #tpu.memory_space<vmem>>[vector<16xi32>], vector<16xf32>,
            %swap3A_96 = arith.index_cast %scan3A_27 : i32 to index
            %swap3A_97 = arith.constant 112 : index
            %swap3A_98 = tpu.vector_load %arg6[%swap3A_96, %swap3A_97] {strides = array<i32>} : memref<8x1024xf32, #tpu.memory_space<vmem>>, vector<16xf32>,
            tpu.vector_store %arg6[%swap3A_96, %swap3A_97], %gather3A_95 {strides = array<i32>} : memref<8x1024xf32, #tpu.memory_space<vmem>>, vector<16xf32>,
            %get3A_99 = arith.index_cast %scan3A_27 : i32 to index
            %get3A_100 = arith.constant 128 : index
            %get3A_101 = tpu.vector_load %arg5[%get3A_99, %get3A_100] {strides = array<i32>} : memref<8x1024xi32, #tpu.memory_space<vmem>>, vector<16xi32>,
            %add3A_102 = vector.broadcast %mul3A_29 : i32 to vector<16xi32>
            %add3A_103 = arith.addi %get3A_101, %add3A_102 : vector<16xi32>
            %gather3A_104 = tpu.vector_load_idx %arg7[%add3A_103] : memref<672xf32, #tpu.memory_space<vmem>>[vector<16xi32>], vector<16xf32>,
            %swap3A_105 = arith.index_cast %scan3A_27 : i32 to index
            %swap3A_106 = arith.constant 128 : index
            %swap3A_107 = tpu.vector_load %arg6[%swap3A_105, %swap3A_106] {strides = array<i32>} : memref<8x1024xf32, #tpu.memory_space<vmem>>, vector<16xf32>,
            tpu.vector_store %arg6[%swap3A_105, %swap3A_106], %gather3A_104 {strides = array<i32>} : memref<8x1024xf32, #tpu.memory_space<vmem>>, vector<16xf32>,
            %get3A_108 = arith.index_cast %scan3A_27 : i32 to index
            %get3A_109 = arith.constant 144 : index
            %get3A_110 = tpu.vector_load %arg5[%get3A_108, %get3A_109] {strides = array<i32>} : memref<8x1024xi32, #tpu.memory_space<vmem>>, vector<16xi32>,
            %add3A_111 = vector.broadcast %mul3A_29 : i32 to vector<16xi32>
            %add3A_112 = arith.addi %get3A_110, %add3A_111 : vector<16xi32>
            %gather3A_113 = tpu.vector_load_idx %arg7[%add3A_112] : memref<672xf32, #tpu.memory_space<vmem>>[vector<16xi32>], vector<16xf32>,
            %swap3A_114 = arith.index_cast %scan3A_27 : i32 to index
            %swap3A_115 = arith.constant 144 : index
            %swap3A_116 = tpu.vector_load %arg6[%swap3A_114, %swap3A_115] {strides = array<i32>} : memref<8x1024xf32, #tpu.memory_space<vmem>>, vector<16xf32>,
            tpu.vector_store %arg6[%swap3A_114, %swap3A_115], %gather3A_113 {strides = array<i32>} : memref<8x1024xf32, #tpu.memory_space<vmem>>, vector<16xf32>,
            %get3A_117 = arith.index_cast %scan3A_27 : i32 to index
            %get3A_118 = arith.constant 160 : index
            %get3A_119 = tpu.vector_load %arg5[%get3A_117, %get3A_118] {strides = array<i32>} : memref<8x1024xi32, #tpu.memory_space<vmem>>, vector<16xi32>,
            %add3A_120 = vector.broadcast %mul3A_29 : i32 to vector<16xi32>
            %add3A_121 = arith.addi %get3A_119, %add3A_120 : vector<16xi32>
            %gather3A_122 = tpu.vector_load_idx %arg7[%add3A_121] : memref<672xf32, #tpu.memory_space<vmem>>[vector<16xi32>], vector<16xf32>,
            %swap3A_123 = arith.index_cast %scan3A_27 : i32 to index
            %swap3A_124 = arith.constant 160 : index
            %swap3A_125 = tpu.vector_load %arg6[%swap3A_123, %swap3A_124] {strides = array<i32>} : memref<8x1024xf32, #tpu.memory_space<vmem>>, vector<16xf32>,
            tpu.vector_store %arg6[%swap3A_123, %swap3A_124], %gather3A_122 {strides = array<i32>} : memref<8x1024xf32, #tpu.memory_space<vmem>>, vector<16xf32>,
            %get3A_126 = arith.index_cast %scan3A_27 : i32 to index
            %get3A_127 = arith.constant 176 : index
            %get3A_128 = tpu.vector_load %arg5[%get3A_126, %get3A_127] {strides = array<i32>} : memref<8x1024xi32, #tpu.memory_space<vmem>>, vector<16xi32>,
            %add3A_129 = vector.broadcast %mul3A_29 : i32 to vector<16xi32>
            %add3A_130 = arith.addi %get3A_128, %add3A_129 : vector<16xi32>
            %gather3A_131 = tpu.vector_load_idx %arg7[%add3A_130] : memref<672xf32, #tpu.memory_space<vmem>>[vector<16xi32>], vector<16xf32>,
            %swap3A_132 = arith.index_cast %scan3A_27 : i32 to index
            %swap3A_133 = arith.constant 176 : index
            %swap3A_134 = tpu.vector_load %arg6[%swap3A_132, %swap3A_133] {strides = array<i32>} : memref<8x1024xf32, #tpu.memory_space<vmem>>, vector<16xf32>,
            tpu.vector_store %arg6[%swap3A_132, %swap3A_133], %gather3A_131 {strides = array<i32>} : memref<8x1024xf32, #tpu.memory_space<vmem>>, vector<16xf32>,
            %get3A_135 = arith.index_cast %scan3A_27 : i32 to index
            %get3A_136 = arith.constant 192 : index
            %get3A_137 = tpu.vector_load %arg5[%get3A_135, %get3A_136] {strides = array<i32>} : memref<8x1024xi32, #tpu.memory_space<vmem>>, vector<16xi32>,
            %add3A_138 = vector.broadcast %mul3A_29 : i32 to vector<16xi32>
            %add3A_139 = arith.addi %get3A_137, %add3A_138 : vector<16xi32>
            %gather3A_140 = tpu.vector_load_idx %arg7[%add3A_139] : memref<672xf32, #tpu.memory_space<vmem>>[vector<16xi32>], vector<16xf32>,
            %swap3A_141 = arith.index_cast %scan3A_27 : i32 to index
            %swap3A_142 = arith.constant 192 : index
            %swap3A_143 = tpu.vector_load %arg6[%swap3A_141, %swap3A_142] {strides = array<i32>} : memref<8x1024xf32, #tpu.memory_space<vmem>>, vector<16xf32>,
            tpu.vector_store %arg6[%swap3A_141, %swap3A_142], %gather3A_140 {strides = array<i32>} : memref<8x1024xf32, #tpu.memory_space<vmem>>, vector<16xf32>,
            %get3A_144 = arith.index_cast %scan3A_27 : i32 to index
            %get3A_145 = arith.constant 208 : index
            %get3A_146 = tpu.vector_load %arg5[%get3A_144, %get3A_145] {strides = array<i32>} : memref<8x1024xi32, #tpu.memory_space<vmem>>, vector<16xi32>,
            %add3A_147 = vector.broadcast %mul3A_29 : i32 to vector<16xi32>
            %add3A_148 = arith.addi %get3A_146, %add3A_147 : vector<16xi32>
            %gather3A_149 = tpu.vector_load_idx %arg7[%add3A_148] : memref<672xf32, #tpu.memory_space<vmem>>[vector<16xi32>], vector<16xf32>,
            %swap3A_150 = arith.index_cast %scan3A_27 : i32 to index
            %swap3A_151 = arith.constant 208 : index
            %swap3A_152 = tpu.vector_load %arg6[%swap3A_150, %swap3A_151] {strides = array<i32>} : memref<8x1024xf32, #tpu.memory_space<vmem>>, vector<16xf32>,
            tpu.vector_store %arg6[%swap3A_150, %swap3A_151], %gather3A_149 {strides = array<i32>} : memref<8x1024xf32, #tpu.memory_space<vmem>>, vector<16xf32>,
            %get3A_153 = arith.index_cast %scan3A_27 : i32 to index
            %get3A_154 = arith.constant 224 : index
            %get3A_155 = tpu.vector_load %arg5[%get3A_153, %get3A_154] {strides = array<i32>} : memref<8x1024xi32, #tpu.memory_space<vmem>>, vector<16xi32>,
            %add3A_156 = vector.broadcast %mul3A_29 : i32 to vector<16xi32>
            %add3A_157 = arith.addi %get3A_155, %add3A_156 : vector<16xi32>
            %gather3A_158 = tpu.vector_load_idx %arg7[%add3A_157] : memref<672xf32, #tpu.memory_space<vmem>>[vector<16xi32>], vector<16xf32>,
            %swap3A_159 = arith.index_cast %scan3A_27 : i32 to index
            %swap3A_160 = arith.constant 224 : index
            %swap3A_161 = tpu.vector_load %arg6[%swap3A_159, %swap3A_160] {strides = array<i32>} : memref<8x1024xf32, #tpu.memory_space<vmem>>, vector<16xf32>,
            tpu.vector_store %arg6[%swap3A_159, %swap3A_160], %gather3A_158 {strides = array<i32>} : memref<8x1024xf32, #tpu.memory_space<vmem>>, vector<16xf32>,
            %get3A_162 = arith.index_cast %scan3A_27 : i32 to index
            %get3A_163 = arith.constant 240 : index
            %get3A_164 = tpu.vector_load %arg5[%get3A_162, %get3A_163] {strides = array<i32>} : memref<8x1024xi32, #tpu.memory_space<vmem>>, vector<16xi32>,
            %add3A_165 = vector.broadcast %mul3A_29 : i32 to vector<16xi32>
            %add3A_166 = arith.addi %get3A_164, %add3A_165 : vector<16xi32>
            %gather3A_167 = tpu.vector_load_idx %arg7[%add3A_166] : memref<672xf32, #tpu.memory_space<vmem>>[vector<16xi32>], vector<16xf32>,
            %swap3A_168 = arith.index_cast %scan3A_27 : i32 to index
            %swap3A_169 = arith.constant 240 : index
            %swap3A_170 = tpu.vector_load %arg6[%swap3A_168, %swap3A_169] {strides = array<i32>} : memref<8x1024xf32, #tpu.memory_space<vmem>>, vector<16xf32>,
            tpu.vector_store %arg6[%swap3A_168, %swap3A_169], %gather3A_167 {strides = array<i32>} : memref<8x1024xf32, #tpu.memory_space<vmem>>, vector<16xf32>,
            %get3A_171 = arith.index_cast %scan3A_27 : i32 to index
            %get3A_172 = arith.constant 256 : index
            %get3A_173 = tpu.vector_load %arg5[%get3A_171, %get3A_172] {strides = array<i32>} : memref<8x1024xi32, #tpu.memory_space<vmem>>, vector<16xi32>,
            %add3A_174 = vector.broadcast %mul3A_29 : i32 to vector<16xi32>
            %add3A_175 = arith.addi %get3A_173, %add3A_174 : vector<16xi32>
            %gather3A_176 = tpu.vector_load_idx %arg7[%add3A_175] : memref<672xf32, #tpu.memory_space<vmem>>[vector<16xi32>], vector<16xf32>,
            %swap3A_177 = arith.index_cast %scan3A_27 : i32 to index
            %swap3A_178 = arith.constant 256 : index
            %swap3A_179 = tpu.vector_load %arg6[%swap3A_177, %swap3A_178] {strides = array<i32>} : memref<8x1024xf32, #tpu.memory_space<vmem>>, vector<16xf32>,
            tpu.vector_store %arg6[%swap3A_177, %swap3A_178], %gather3A_176 {strides = array<i32>} : memref<8x1024xf32, #tpu.memory_space<vmem>>, vector<16xf32>,
            %get3A_180 = arith.index_cast %scan3A_27 : i32 to index
            %get3A_181 = arith.constant 272 : index
            %get3A_182 = tpu.vector_load %arg5[%get3A_180, %get3A_181] {strides = array<i32>} : memref<8x1024xi32, #tpu.memory_space<vmem>>, vector<16xi32>,
            %add3A_183 = vector.broadcast %mul3A_29 : i32 to vector<16xi32>
            %add3A_184 = arith.addi %get3A_182, %add3A_183 : vector<16xi32>
            %gather3A_185 = tpu.vector_load_idx %arg7[%add3A_184] : memref<672xf32, #tpu.memory_space<vmem>>[vector<16xi32>], vector<16xf32>,
            %swap3A_186 = arith.index_cast %scan3A_27 : i32 to index
            %swap3A_187 = arith.constant 272 : index
            %swap3A_188 = tpu.vector_load %arg6[%swap3A_186, %swap3A_187] {strides = array<i32>} : memref<8x1024xf32, #tpu.memory_space<vmem>>, vector<16xf32>,
            tpu.vector_store %arg6[%swap3A_186, %swap3A_187], %gather3A_185 {strides = array<i32>} : memref<8x1024xf32, #tpu.memory_space<vmem>>, vector<16xf32>,
            %get3A_189 = arith.index_cast %scan3A_27 : i32 to index
            %get3A_190 = arith.constant 288 : index
            %get3A_191 = tpu.vector_load %arg5[%get3A_189, %get3A_190] {strides = array<i32>} : memref<8x1024xi32, #tpu.memory_space<vmem>>, vector<16xi32>,
            %add3A_192 = vector.broadcast %mul3A_29 : i32 to vector<16xi32>
            %add3A_193 = arith.addi %get3A_191, %add3A_192 : vector<16xi32>
            %gather3A_194 = tpu.vector_load_idx %arg7[%add3A_193] : memref<672xf32, #tpu.memory_space<vmem>>[vector<16xi32>], vector<16xf32>,
            %swap3A_195 = arith.index_cast %scan3A_27 : i32 to index
            %swap3A_196 = arith.constant 288 : index
            %swap3A_197 = tpu.vector_load %arg6[%swap3A_195, %swap3A_196] {strides = array<i32>} : memref<8x1024xf32, #tpu.memory_space<vmem>>, vector<16xf32>,
            tpu.vector_store %arg6[%swap3A_195, %swap3A_196], %gather3A_194 {strides = array<i32>} : memref<8x1024xf32, #tpu.memory_space<vmem>>, vector<16xf32>,
            %get3A_198 = arith.index_cast %scan3A_27 : i32 to index
            %get3A_199 = arith.constant 304 : index
            %get3A_200 = tpu.vector_load %arg5[%get3A_198, %get3A_199] {strides = array<i32>} : memref<8x1024xi32, #tpu.memory_space<vmem>>, vector<16xi32>,
            %add3A_201 = vector.broadcast %mul3A_29 : i32 to vector<16xi32>
            %add3A_202 = arith.addi %get3A_200, %add3A_201 : vector<16xi32>
            %gather3A_203 = tpu.vector_load_idx %arg7[%add3A_202] : memref<672xf32, #tpu.memory_space<vmem>>[vector<16xi32>], vector<16xf32>,
            %swap3A_204 = arith.index_cast %scan3A_27 : i32 to index
            %swap3A_205 = arith.constant 304 : index
            %swap3A_206 = tpu.vector_load %arg6[%swap3A_204, %swap3A_205] {strides = array<i32>} : memref<8x1024xf32, #tpu.memory_space<vmem>>, vector<16xf32>,
            tpu.vector_store %arg6[%swap3A_204, %swap3A_205], %gather3A_203 {strides = array<i32>} : memref<8x1024xf32, #tpu.memory_space<vmem>>, vector<16xf32>,
            %get3A_207 = arith.index_cast %scan3A_27 : i32 to index
            %get3A_208 = arith.constant 320 : index
            %get3A_209 = tpu.vector_load %arg5[%get3A_207, %get3A_208] {strides = array<i32>} : memref<8x1024xi32, #tpu.memory_space<vmem>>, vector<16xi32>,
            %add3A_210 = vector.broadcast %mul3A_29 : i32 to vector<16xi32>
            %add3A_211 = arith.addi %get3A_209, %add3A_210 : vector<16xi32>
            %gather3A_212 = tpu.vector_load_idx %arg7[%add3A_211] : memref<672xf32, #tpu.memory_space<vmem>>[vector<16xi32>], vector<16xf32>,
            %swap3A_213 = arith.index_cast %scan3A_27 : i32 to index
            %swap3A_214 = arith.constant 320 : index
            %swap3A_215 = tpu.vector_load %arg6[%swap3A_213, %swap3A_214] {strides = array<i32>} : memref<8x1024xf32, #tpu.memory_space<vmem>>, vector<16xf32>,
            tpu.vector_store %arg6[%swap3A_213, %swap3A_214], %gather3A_212 {strides = array<i32>} : memref<8x1024xf32, #tpu.memory_space<vmem>>, vector<16xf32>,
            %get3A_216 = arith.index_cast %scan3A_27 : i32 to index
            %get3A_217 = arith.constant 336 : index
            %get3A_218 = tpu.vector_load %arg5[%get3A_216, %get3A_217] {strides = array<i32>} : memref<8x1024xi32, #tpu.memory_space<vmem>>, vector<16xi32>,
            %add3A_219 = vector.broadcast %mul3A_29 : i32 to vector<16xi32>
            %add3A_220 = arith.addi %get3A_218, %add3A_219 : vector<16xi32>
            %gather3A_221 = tpu.vector_load_idx %arg7[%add3A_220] : memref<672xf32, #tpu.memory_space<vmem>>[vector<16xi32>], vector<16xf32>,
            %swap3A_222 = arith.index_cast %scan3A_27 : i32 to index
            %swap3A_223 = arith.constant 336 : index
            %swap3A_224 = tpu.vector_load %arg6[%swap3A_222, %swap3A_223] {strides = array<i32>} : memref<8x1024xf32, #tpu.memory_space<vmem>>, vector<16xf32>,
            tpu.vector_store %arg6[%swap3A_222, %swap3A_223], %gather3A_221 {strides = array<i32>} : memref<8x1024xf32, #tpu.memory_space<vmem>>, vector<16xf32>,
            %get3A_225 = arith.index_cast %scan3A_27 : i32 to index
            %get3A_226 = arith.constant 352 : index
            %get3A_227 = tpu.vector_load %arg5[%get3A_225, %get3A_226] {strides = array<i32>} : memref<8x1024xi32, #tpu.memory_space<vmem>>, vector<16xi32>,
            %add3A_228 = vector.broadcast %mul3A_29 : i32 to vector<16xi32>
            %add3A_229 = arith.addi %get3A_227, %add3A_228 : vector<16xi32>
            %gather3A_230 = tpu.vector_load_idx %arg7[%add3A_229] : memref<672xf32, #tpu.memory_space<vmem>>[vector<16xi32>], vector<16xf32>,
            %swap3A_231 = arith.index_cast %scan3A_27 : i32 to index
            %swap3A_232 = arith.constant 352 : index
            %swap3A_233 = tpu.vector_load %arg6[%swap3A_231, %swap3A_232] {strides = array<i32>} : memref<8x1024xf32, #tpu.memory_space<vmem>>, vector<16xf32>,
            tpu.vector_store %arg6[%swap3A_231, %swap3A_232], %gather3A_230 {strides = array<i32>} : memref<8x1024xf32, #tpu.memory_space<vmem>>, vector<16xf32>,
            %get3A_234 = arith.index_cast %scan3A_27 : i32 to index
            %get3A_235 = arith.constant 368 : index
            %get3A_236 = tpu.vector_load %arg5[%get3A_234, %get3A_235] {strides = array<i32>} : memref<8x1024xi32, #tpu.memory_space<vmem>>, vector<16xi32>,
            %add3A_237 = vector.broadcast %mul3A_29 : i32 to vector<16xi32>
            %add3A_238 = arith.addi %get3A_236, %add3A_237 : vector<16xi32>
            %gather3A_239 = tpu.vector_load_idx %arg7[%add3A_238] : memref<672xf32, #tpu.memory_space<vmem>>[vector<16xi32>], vector<16xf32>,
            %swap3A_240 = arith.index_cast %scan3A_27 : i32 to index
            %swap3A_241 = arith.constant 368 : index
            %swap3A_242 = tpu.vector_load %arg6[%swap3A_240, %swap3A_241] {strides = array<i32>} : memref<8x1024xf32, #tpu.memory_space<vmem>>, vector<16xf32>,
            tpu.vector_store %arg6[%swap3A_240, %swap3A_241], %gather3A_239 {strides = array<i32>} : memref<8x1024xf32, #tpu.memory_space<vmem>>, vector<16xf32>,
            %get3A_243 = arith.index_cast %scan3A_27 : i32 to index
            %get3A_244 = arith.constant 384 : index
            %get3A_245 = tpu.vector_load %arg5[%get3A_243, %get3A_244] {strides = array<i32>} : memref<8x1024xi32, #tpu.memory_space<vmem>>, vector<16xi32>,
            %add3A_246 = vector.broadcast %mul3A_29 : i32 to vector<16xi32>
            %add3A_247 = arith.addi %get3A_245, %add3A_246 : vector<16xi32>
            %gather3A_248 = tpu.vector_load_idx %arg7[%add3A_247] : memref<672xf32, #tpu.memory_space<vmem>>[vector<16xi32>], vector<16xf32>,
            %swap3A_249 = arith.index_cast %scan3A_27 : i32 to index
            %swap3A_250 = arith.constant 384 : index
            %swap3A_251 = tpu.vector_load %arg6[%swap3A_249, %swap3A_250] {strides = array<i32>} : memref<8x1024xf32, #tpu.memory_space<vmem>>, vector<16xf32>,
            tpu.vector_store %arg6[%swap3A_249, %swap3A_250], %gather3A_248 {strides = array<i32>} : memref<8x1024xf32, #tpu.memory_space<vmem>>, vector<16xf32>,
            %get3A_252 = arith.index_cast %scan3A_27 : i32 to index
            %get3A_253 = arith.constant 400 : index
            %get3A_254 = tpu.vector_load %arg5[%get3A_252, %get3A_253] {strides = array<i32>} : memref<8x1024xi32, #tpu.memory_space<vmem>>, vector<16xi32>,
            %add3A_255 = vector.broadcast %mul3A_29 : i32 to vector<16xi32>
            %add3A_256 = arith.addi %get3A_254, %add3A_255 : vector<16xi32>
            %gather3A_257 = tpu.vector_load_idx %arg7[%add3A_256] : memref<672xf32, #tpu.memory_space<vmem>>[vector<16xi32>], vector<16xf32>,
            %swap3A_258 = arith.index_cast %scan3A_27 : i32 to index
            %swap3A_259 = arith.constant 400 : index
            %swap3A_260 = tpu.vector_load %arg6[%swap3A_258, %swap3A_259] {strides = array<i32>} : memref<8x1024xf32, #tpu.memory_space<vmem>>, vector<16xf32>,
            tpu.vector_store %arg6[%swap3A_258, %swap3A_259], %gather3A_257 {strides = array<i32>} : memref<8x1024xf32, #tpu.memory_space<vmem>>, vector<16xf32>,
            %get3A_261 = arith.index_cast %scan3A_27 : i32 to index
            %get3A_262 = arith.constant 416 : index
            %get3A_263 = tpu.vector_load %arg5[%get3A_261, %get3A_262] {strides = array<i32>} : memref<8x1024xi32, #tpu.memory_space<vmem>>, vector<16xi32>,
            %add3A_264 = vector.broadcast %mul3A_29 : i32 to vector<16xi32>
            %add3A_265 = arith.addi %get3A_263, %add3A_264 : vector<16xi32>
            %gather3A_266 = tpu.vector_load_idx %arg7[%add3A_265] : memref<672xf32, #tpu.memory_space<vmem>>[vector<16xi32>], vector<16xf32>,
            %swap3A_267 = arith.index_cast %scan3A_27 : i32 to index
            %swap3A_268 = arith.constant 416 : index
            %swap3A_269 = tpu.vector_load %arg6[%swap3A_267, %swap3A_268] {strides = array<i32>} : memref<8x1024xf32, #tpu.memory_space<vmem>>, vector<16xf32>,
            tpu.vector_store %arg6[%swap3A_267, %swap3A_268], %gather3A_266 {strides = array<i32>} : memref<8x1024xf32, #tpu.memory_space<vmem>>, vector<16xf32>,
            %get3A_270 = arith.index_cast %scan3A_27 : i32 to index
            %get3A_271 = arith.constant 432 : index
            %get3A_272 = tpu.vector_load %arg5[%get3A_270, %get3A_271] {strides = array<i32>} : memref<8x1024xi32, #tpu.memory_space<vmem>>, vector<16xi32>,
            %add3A_273 = vector.broadcast %mul3A_29 : i32 to vector<16xi32>
            %add3A_274 = arith.addi %get3A_272, %add3A_273 : vector<16xi32>
            %gather3A_275 = tpu.vector_load_idx %arg7[%add3A_274] : memref<672xf32, #tpu.memory_space<vmem>>[vector<16xi32>], vector<16xf32>,
            %swap3A_276 = arith.index_cast %scan3A_27 : i32 to index
            %swap3A_277 = arith.constant 432 : index
            %swap3A_278 = tpu.vector_load %arg6[%swap3A_276, %swap3A_277] {strides = array<i32>} : memref<8x1024xf32, #tpu.memory_space<vmem>>, vector<16xf32>,
            tpu.vector_store %arg6[%swap3A_276, %swap3A_277], %gather3A_275 {strides = array<i32>} : memref<8x1024xf32, #tpu.memory_space<vmem>>, vector<16xf32>,
            %get3A_279 = arith.index_cast %scan3A_27 : i32 to index
            %get3A_280 = arith.constant 448 : index
            %get3A_281 = tpu.vector_load %arg5[%get3A_279, %get3A_280] {strides = array<i32>} : memref<8x1024xi32, #tpu.memory_space<vmem>>, vector<16xi32>,
            %add3A_282 = vector.broadcast %mul3A_29 : i32 to vector<16xi32>
            %add3A_283 = arith.addi %get3A_281, %add3A_282 : vector<16xi32>
            %gather3A_284 = tpu.vector_load_idx %arg7[%add3A_283] : memref<672xf32, #tpu.memory_space<vmem>>[vector<16xi32>], vector<16xf32>,
            %swap3A_285 = arith.index_cast %scan3A_27 : i32 to index
            %swap3A_286 = arith.constant 448 : index
            %swap3A_287 = tpu.vector_load %arg6[%swap3A_285, %swap3A_286] {strides = array<i32>} : memref<8x1024xf32, #tpu.memory_space<vmem>>, vector<16xf32>,
            tpu.vector_store %arg6[%swap3A_285, %swap3A_286], %gather3A_284 {strides = array<i32>} : memref<8x1024xf32, #tpu.memory_space<vmem>>, vector<16xf32>,
            %get3A_288 = arith.index_cast %scan3A_27 : i32 to index
            %get3A_289 = arith.constant 464 : index
            %get3A_290 = tpu.vector_load %arg5[%get3A_288, %get3A_289] {strides = array<i32>} : memref<8x1024xi32, #tpu.memory_space<vmem>>, vector<16xi32>,
            %add3A_291 = vector.broadcast %mul3A_29 : i32 to vector<16xi32>
            %add3A_292 = arith.addi %get3A_290, %add3A_291 : vector<16xi32>
            %gather3A_293 = tpu.vector_load_idx %arg7[%add3A_292] : memref<672xf32, #tpu.memory_space<vmem>>[vector<16xi32>], vector<16xf32>,
            %swap3A_294 = arith.index_cast %scan3A_27 : i32 to index
            %swap3A_295 = arith.constant 464 : index
            %swap3A_296 = tpu.vector_load %arg6[%swap3A_294, %swap3A_295] {strides = array<i32>} : memref<8x1024xf32, #tpu.memory_space<vmem>>, vector<16xf32>,
            tpu.vector_store %arg6[%swap3A_294, %swap3A_295], %gather3A_293 {strides = array<i32>} : memref<8x1024xf32, #tpu.memory_space<vmem>>, vector<16xf32>,
            %get3A_297 = arith.index_cast %scan3A_27 : i32 to index
            %get3A_298 = arith.constant 480 : index
            %get3A_299 = tpu.vector_load %arg5[%get3A_297, %get3A_298] {strides = array<i32>} : memref<8x1024xi32, #tpu.memory_space<vmem>>, vector<16xi32>,
            %add3A_300 = vector.broadcast %mul3A_29 : i32 to vector<16xi32>
            %add3A_301 = arith.addi %get3A_299, %add3A_300 : vector<16xi32>
            %gather3A_302 = tpu.vector_load_idx %arg7[%add3A_301] : memref<672xf32, #tpu.memory_space<vmem>>[vector<16xi32>], vector<16xf32>,
            %swap3A_303 = arith.index_cast %scan3A_27 : i32 to index
            %swap3A_304 = arith.constant 480 : index
            %swap3A_305 = tpu.vector_load %arg6[%swap3A_303, %swap3A_304] {strides = array<i32>} : memref<8x1024xf32, #tpu.memory_space<vmem>>, vector<16xf32>,
            tpu.vector_store %arg6[%swap3A_303, %swap3A_304], %gather3A_302 {strides = array<i32>} : memref<8x1024xf32, #tpu.memory_space<vmem>>, vector<16xf32>,
            %get3A_306 = arith.index_cast %scan3A_27 : i32 to index
            %get3A_307 = arith.constant 496 : index
            %get3A_308 = tpu.vector_load %arg5[%get3A_306, %get3A_307] {strides = array<i32>} : memref<8x1024xi32, #tpu.memory_space<vmem>>, vector<16xi32>,
            %add3A_309 = vector.broadcast %mul3A_29 : i32 to vector<16xi32>
            %add3A_310 = arith.addi %get3A_308, %add3A_309 : vector<16xi32>
            %gather3A_311 = tpu.vector_load_idx %arg7[%add3A_310] : memref<672xf32, #tpu.memory_space<vmem>>[vector<16xi32>], vector<16xf32>,
            %swap3A_312 = arith.index_cast %scan3A_27 : i32 to index
            %swap3A_313 = arith.constant 496 : index
            %swap3A_314 = tpu.vector_load %arg6[%swap3A_312, %swap3A_313] {strides = array<i32>} : memref<8x1024xf32, #tpu.memory_space<vmem>>, vector<16xf32>,
            tpu.vector_store %arg6[%swap3A_312, %swap3A_313], %gather3A_311 {strides = array<i32>} : memref<8x1024xf32, #tpu.memory_space<vmem>>, vector<16xf32>,
            %get3A_315 = arith.index_cast %scan3A_27 : i32 to index
            %get3A_316 = arith.constant 512 : index
            %get3A_317 = tpu.vector_load %arg5[%get3A_315, %get3A_316] {strides = array<i32>} : memref<8x1024xi32, #tpu.memory_space<vmem>>, vector<16xi32>,
            %add3A_318 = vector.broadcast %mul3A_29 : i32 to vector<16xi32>
            %add3A_319 = arith.addi %get3A_317, %add3A_318 : vector<16xi32>
            %gather3A_320 = tpu.vector_load_idx %arg7[%add3A_319] : memref<672xf32, #tpu.memory_space<vmem>>[vector<16xi32>], vector<16xf32>,
            %swap3A_321 = arith.index_cast %scan3A_27 : i32 to index
            %swap3A_322 = arith.constant 512 : index
            %swap3A_323 = tpu.vector_load %arg6[%swap3A_321, %swap3A_322] {strides = array<i32>} : memref<8x1024xf32, #tpu.memory_space<vmem>>, vector<16xf32>,
            tpu.vector_store %arg6[%swap3A_321, %swap3A_322], %gather3A_320 {strides = array<i32>} : memref<8x1024xf32, #tpu.memory_space<vmem>>, vector<16xf32>,
            %get3A_324 = arith.index_cast %scan3A_27 : i32 to index
            %get3A_325 = arith.constant 528 : index
            %get3A_326 = tpu.vector_load %arg5[%get3A_324, %get3A_325] {strides = array<i32>} : memref<8x1024xi32, #tpu.memory_space<vmem>>, vector<16xi32>,
            %add3A_327 = vector.broadcast %mul3A_29 : i32 to vector<16xi32>
            %add3A_328 = arith.addi %get3A_326, %add3A_327 : vector<16xi32>
            %gather3A_329 = tpu.vector_load_idx %arg7[%add3A_328] : memref<672xf32, #tpu.memory_space<vmem>>[vector<16xi32>], vector<16xf32>,
            %swap3A_330 = arith.index_cast %scan3A_27 : i32 to index
            %swap3A_331 = arith.constant 528 : index
            %swap3A_332 = tpu.vector_load %arg6[%swap3A_330, %swap3A_331] {strides = array<i32>} : memref<8x1024xf32, #tpu.memory_space<vmem>>, vector<16xf32>,
            tpu.vector_store %arg6[%swap3A_330, %swap3A_331], %gather3A_329 {strides = array<i32>} : memref<8x1024xf32, #tpu.memory_space<vmem>>, vector<16xf32>,
            %get3A_333 = arith.index_cast %scan3A_27 : i32 to index
            %get3A_334 = arith.constant 544 : index
            %get3A_335 = tpu.vector_load %arg5[%get3A_333, %get3A_334] {strides = array<i32>} : memref<8x1024xi32, #tpu.memory_space<vmem>>, vector<16xi32>,
            %add3A_336 = vector.broadcast %mul3A_29 : i32 to vector<16xi32>
            %add3A_337 = arith.addi %get3A_335, %add3A_336 : vector<16xi32>
            %gather3A_338 = tpu.vector_load_idx %arg7[%add3A_337] : memref<672xf32, #tpu.memory_space<vmem>>[vector<16xi32>], vector<16xf32>,
            %swap3A_339 = arith.index_cast %scan3A_27 : i32 to index
            %swap3A_340 = arith.constant 544 : index
            %swap3A_341 = tpu.vector_load %arg6[%swap3A_339, %swap3A_340] {strides = array<i32>} : memref<8x1024xf32, #tpu.memory_space<vmem>>, vector<16xf32>,
            tpu.vector_store %arg6[%swap3A_339, %swap3A_340], %gather3A_338 {strides = array<i32>} : memref<8x1024xf32, #tpu.memory_space<vmem>>, vector<16xf32>,
            %get3A_342 = arith.index_cast %scan3A_27 : i32 to index
            %get3A_343 = arith.constant 560 : index
            %get3A_344 = tpu.vector_load %arg5[%get3A_342, %get3A_343] {strides = array<i32>} : memref<8x1024xi32, #tpu.memory_space<vmem>>, vector<16xi32>,
            %add3A_345 = vector.broadcast %mul3A_29 : i32 to vector<16xi32>
            %add3A_346 = arith.addi %get3A_344, %add3A_345 : vector<16xi32>
            %gather3A_347 = tpu.vector_load_idx %arg7[%add3A_346] : memref<672xf32, #tpu.memory_space<vmem>>[vector<16xi32>], vector<16xf32>,
            %swap3A_348 = arith.index_cast %scan3A_27 : i32 to index
            %swap3A_349 = arith.constant 560 : index
            %swap3A_350 = tpu.vector_load %arg6[%swap3A_348, %swap3A_349] {strides = array<i32>} : memref<8x1024xf32, #tpu.memory_space<vmem>>, vector<16xf32>,
            tpu.vector_store %arg6[%swap3A_348, %swap3A_349], %gather3A_347 {strides = array<i32>} : memref<8x1024xf32, #tpu.memory_space<vmem>>, vector<16xf32>,
            %get3A_351 = arith.index_cast %scan3A_27 : i32 to index
            %get3A_352 = arith.constant 576 : index
            %get3A_353 = tpu.vector_load %arg5[%get3A_351, %get3A_352] {strides = array<i32>} : memref<8x1024xi32, #tpu.memory_space<vmem>>, vector<16xi32>,
            %add3A_354 = vector.broadcast %mul3A_29 : i32 to vector<16xi32>
            %add3A_355 = arith.addi %get3A_353, %add3A_354 : vector<16xi32>
            %gather3A_356 = tpu.vector_load_idx %arg7[%add3A_355] : memref<672xf32, #tpu.memory_space<vmem>>[vector<16xi32>], vector<16xf32>,
            %swap3A_357 = arith.index_cast %scan3A_27 : i32 to index
            %swap3A_358 = arith.constant 576 : index
            %swap3A_359 = tpu.vector_load %arg6[%swap3A_357, %swap3A_358] {strides = array<i32>} : memref<8x1024xf32, #tpu.memory_space<vmem>>, vector<16xf32>,
            tpu.vector_store %arg6[%swap3A_357, %swap3A_358], %gather3A_356 {strides = array<i32>} : memref<8x1024xf32, #tpu.memory_space<vmem>>, vector<16xf32>,
            %get3A_360 = arith.index_cast %scan3A_27 : i32 to index
            %get3A_361 = arith.constant 592 : index
            %get3A_362 = tpu.vector_load %arg5[%get3A_360, %get3A_361] {strides = array<i32>} : memref<8x1024xi32, #tpu.memory_space<vmem>>, vector<16xi32>,
            %add3A_363 = vector.broadcast %mul3A_29 : i32 to vector<16xi32>
            %add3A_364 = arith.addi %get3A_362, %add3A_363 : vector<16xi32>
            %gather3A_365 = tpu.vector_load_idx %arg7[%add3A_364] : memref<672xf32, #tpu.memory_space<vmem>>[vector<16xi32>], vector<16xf32>,
            %swap3A_366 = arith.index_cast %scan3A_27 : i32 to index
            %swap3A_367 = arith.constant 592 : index
            %swap3A_368 = tpu.vector_load %arg6[%swap3A_366, %swap3A_367] {strides = array<i32>} : memref<8x1024xf32, #tpu.memory_space<vmem>>, vector<16xf32>,
            tpu.vector_store %arg6[%swap3A_366, %swap3A_367], %gather3A_365 {strides = array<i32>} : memref<8x1024xf32, #tpu.memory_space<vmem>>, vector<16xf32>,
            %get3A_369 = arith.index_cast %scan3A_27 : i32 to index
            %get3A_370 = arith.constant 608 : index
            %get3A_371 = tpu.vector_load %arg5[%get3A_369, %get3A_370] {strides = array<i32>} : memref<8x1024xi32, #tpu.memory_space<vmem>>, vector<16xi32>,
            %add3A_372 = vector.broadcast %mul3A_29 : i32 to vector<16xi32>
            %add3A_373 = arith.addi %get3A_371, %add3A_372 : vector<16xi32>
            %gather3A_374 = tpu.vector_load_idx %arg7[%add3A_373] : memref<672xf32, #tpu.memory_space<vmem>>[vector<16xi32>], vector<16xf32>,
            %swap3A_375 = arith.index_cast %scan3A_27 : i32 to index
            %swap3A_376 = arith.constant 608 : index
            %swap3A_377 = tpu.vector_load %arg6[%swap3A_375, %swap3A_376] {strides = array<i32>} : memref<8x1024xf32, #tpu.memory_space<vmem>>, vector<16xf32>,
            tpu.vector_store %arg6[%swap3A_375, %swap3A_376], %gather3A_374 {strides = array<i32>} : memref<8x1024xf32, #tpu.memory_space<vmem>>, vector<16xf32>,
            %get3A_378 = arith.index_cast %scan3A_27 : i32 to index
            %get3A_379 = arith.constant 624 : index
            %get3A_380 = tpu.vector_load %arg5[%get3A_378, %get3A_379] {strides = array<i32>} : memref<8x1024xi32, #tpu.memory_space<vmem>>, vector<16xi32>,
            %add3A_381 = vector.broadcast %mul3A_29 : i32 to vector<16xi32>
            %add3A_382 = arith.addi %get3A_380, %add3A_381 : vector<16xi32>
            %gather3A_383 = tpu.vector_load_idx %arg7[%add3A_382] : memref<672xf32, #tpu.memory_space<vmem>>[vector<16xi32>], vector<16xf32>,
            %swap3A_384 = arith.index_cast %scan3A_27 : i32 to index
            %swap3A_385 = arith.constant 624 : index
            %swap3A_386 = tpu.vector_load %arg6[%swap3A_384, %swap3A_385] {strides = array<i32>} : memref<8x1024xf32, #tpu.memory_space<vmem>>, vector<16xf32>,
            tpu.vector_store %arg6[%swap3A_384, %swap3A_385], %gather3A_383 {strides = array<i32>} : memref<8x1024xf32, #tpu.memory_space<vmem>>, vector<16xf32>,
            %get3A_387 = arith.index_cast %scan3A_27 : i32 to index
            %get3A_388 = arith.constant 640 : index
            %get3A_389 = tpu.vector_load %arg5[%get3A_387, %get3A_388] {strides = array<i32>} : memref<8x1024xi32, #tpu.memory_space<vmem>>, vector<16xi32>,
            %add3A_390 = vector.broadcast %mul3A_29 : i32 to vector<16xi32>
            %add3A_391 = arith.addi %get3A_389, %add3A_390 : vector<16xi32>
            %gather3A_392 = tpu.vector_load_idx %arg7[%add3A_391] : memref<672xf32, #tpu.memory_space<vmem>>[vector<16xi32>], vector<16xf32>,
            %swap3A_393 = arith.index_cast %scan3A_27 : i32 to index
            %swap3A_394 = arith.constant 640 : index
            %swap3A_395 = tpu.vector_load %arg6[%swap3A_393, %swap3A_394] {strides = array<i32>} : memref<8x1024xf32, #tpu.memory_space<vmem>>, vector<16xf32>,
            tpu.vector_store %arg6[%swap3A_393, %swap3A_394], %gather3A_392 {strides = array<i32>} : memref<8x1024xf32, #tpu.memory_space<vmem>>, vector<16xf32>,
            %get3A_396 = arith.index_cast %scan3A_27 : i32 to index
            %get3A_397 = arith.constant 656 : index
            %get3A_398 = tpu.vector_load %arg5[%get3A_396, %get3A_397] {strides = array<i32>} : memref<8x1024xi32, #tpu.memory_space<vmem>>, vector<16xi32>,
            %add3A_399 = vector.broadcast %mul3A_29 : i32 to vector<16xi32>
            %add3A_400 = arith.addi %get3A_398, %add3A_399 : vector<16xi32>
            %gather3A_401 = tpu.vector_load_idx %arg7[%add3A_400] : memref<672xf32, #tpu.memory_space<vmem>>[vector<16xi32>], vector<16xf32>,
            %swap3A_402 = arith.index_cast %scan3A_27 : i32 to index
            %swap3A_403 = arith.constant 656 : index
            %swap3A_404 = tpu.vector_load %arg6[%swap3A_402, %swap3A_403] {strides = array<i32>} : memref<8x1024xf32, #tpu.memory_space<vmem>>, vector<16xf32>,
            tpu.vector_store %arg6[%swap3A_402, %swap3A_403], %gather3A_401 {strides = array<i32>} : memref<8x1024xf32, #tpu.memory_space<vmem>>, vector<16xf32>,
            %get3A_405 = arith.index_cast %scan3A_27 : i32 to index
            %get3A_406 = arith.constant 672 : index
            %get3A_407 = tpu.vector_load %arg5[%get3A_405, %get3A_406] {strides = array<i32>} : memref<8x1024xi32, #tpu.memory_space<vmem>>, vector<16xi32>,
            %add3A_408 = vector.broadcast %mul3A_29 : i32 to vector<16xi32>
            %add3A_409 = arith.addi %get3A_407, %add3A_408 : vector<16xi32>
            %gather3A_410 = tpu.vector_load_idx %arg7[%add3A_409] : memref<672xf32, #tpu.memory_space<vmem>>[vector<16xi32>], vector<16xf32>,
            %swap3A_411 = arith.index_cast %scan3A_27 : i32 to index
            %swap3A_412 = arith.constant 672 : index
            %swap3A_413 = tpu.vector_load %arg6[%swap3A_411, %swap3A_412] {strides = array<i32>} : memref<8x1024xf32, #tpu.memory_space<vmem>>, vector<16xf32>,
            tpu.vector_store %arg6[%swap3A_411, %swap3A_412], %gather3A_410 {strides = array<i32>} : memref<8x1024xf32, #tpu.memory_space<vmem>>, vector<16xf32>,
            %get3A_414 = arith.index_cast %scan3A_27 : i32 to index
            %get3A_415 = arith.constant 688 : index
            %get3A_416 = tpu.vector_load %arg5[%get3A_414, %get3A_415] {strides = array<i32>} : memref<8x1024xi32, #tpu.memory_space<vmem>>, vector<16xi32>,
            %add3A_417 = vector.broadcast %mul3A_29 : i32 to vector<16xi32>
            %add3A_418 = arith.addi %get3A_416, %add3A_417 : vector<16xi32>
            %gather3A_419 = tpu.vector_load_idx %arg7[%add3A_418] : memref<672xf32, #tpu.memory_space<vmem>>[vector<16xi32>], vector<16xf32>,
            %swap3A_420 = arith.index_cast %scan3A_27 : i32 to index
            %swap3A_421 = arith.constant 688 : index
            %swap3A_422 = tpu.vector_load %arg6[%swap3A_420, %swap3A_421] {strides = array<i32>} : memref<8x1024xf32, #tpu.memory_space<vmem>>, vector<16xf32>,
            tpu.vector_store %arg6[%swap3A_420, %swap3A_421], %gather3A_419 {strides = array<i32>} : memref<8x1024xf32, #tpu.memory_space<vmem>>, vector<16xf32>,
            %get3A_423 = arith.index_cast %scan3A_27 : i32 to index
            %get3A_424 = arith.constant 704 : index
            %get3A_425 = tpu.vector_load %arg5[%get3A_423, %get3A_424] {strides = array<i32>} : memref<8x1024xi32, #tpu.memory_space<vmem>>, vector<16xi32>,
            %add3A_426 = vector.broadcast %mul3A_29 : i32 to vector<16xi32>
            %add3A_427 = arith.addi %get3A_425, %add3A_426 : vector<16xi32>
            %gather3A_428 = tpu.vector_load_idx %arg7[%add3A_427] : memref<672xf32, #tpu.memory_space<vmem>>[vector<16xi32>], vector<16xf32>,
            %swap3A_429 = arith.index_cast %scan3A_27 : i32 to index
            %swap3A_430 = arith.constant 704 : index
            %swap3A_431 = tpu.vector_load %arg6[%swap3A_429, %swap3A_430] {strides = array<i32>} : memref<8x1024xf32, #tpu.memory_space<vmem>>, vector<16xf32>,
            tpu.vector_store %arg6[%swap3A_429, %swap3A_430], %gather3A_428 {strides = array<i32>} : memref<8x1024xf32, #tpu.memory_space<vmem>>, vector<16xf32>,
            %get3A_432 = arith.index_cast %scan3A_27 : i32 to index
            %get3A_433 = arith.constant 720 : index
            %get3A_434 = tpu.vector_load %arg5[%get3A_432, %get3A_433] {strides = array<i32>} : memref<8x1024xi32, #tpu.memory_space<vmem>>, vector<16xi32>,
            %add3A_435 = vector.broadcast %mul3A_29 : i32 to vector<16xi32>
            %add3A_436 = arith.addi %get3A_434, %add3A_435 : vector<16xi32>
            %gather3A_437 = tpu.vector_load_idx %arg7[%add3A_436] : memref<672xf32, #tpu.memory_space<vmem>>[vector<16xi32>], vector<16xf32>,
            %swap3A_438 = arith.index_cast %scan3A_27 : i32 to index
            %swap3A_439 = arith.constant 720 : index
            %swap3A_440 = tpu.vector_load %arg6[%swap3A_438, %swap3A_439] {strides = array<i32>} : memref<8x1024xf32, #tpu.memory_space<vmem>>, vector<16xf32>,
            tpu.vector_store %arg6[%swap3A_438, %swap3A_439], %gather3A_437 {strides = array<i32>} : memref<8x1024xf32, #tpu.memory_space<vmem>>, vector<16xf32>,
            %get3A_441 = arith.index_cast %scan3A_27 : i32 to index
            %get3A_442 = arith.constant 736 : index
            %get3A_443 = tpu.vector_load %arg5[%get3A_441, %get3A_442] {strides = array<i32>} : memref<8x1024xi32, #tpu.memory_space<vmem>>, vector<16xi32>,
            %add3A_444 = vector.broadcast %mul3A_29 : i32 to vector<16xi32>
            %add3A_445 = arith.addi %get3A_443, %add3A_444 : vector<16xi32>
            %gather3A_446 = tpu.vector_load_idx %arg7[%add3A_445] : memref<672xf32, #tpu.memory_space<vmem>>[vector<16xi32>], vector<16xf32>,
            %swap3A_447 = arith.index_cast %scan3A_27 : i32 to index
            %swap3A_448 = arith.constant 736 : index
            %swap3A_449 = tpu.vector_load %arg6[%swap3A_447, %swap3A_448] {strides = array<i32>} : memref<8x1024xf32, #tpu.memory_space<vmem>>, vector<16xf32>,
            tpu.vector_store %arg6[%swap3A_447, %swap3A_448], %gather3A_446 {strides = array<i32>} : memref<8x1024xf32, #tpu.memory_space<vmem>>, vector<16xf32>,
            %get3A_450 = arith.index_cast %scan3A_27 : i32 to index
            %get3A_451 = arith.constant 752 : index
            %get3A_452 = tpu.vector_load %arg5[%get3A_450, %get3A_451] {strides = array<i32>} : memref<8x1024xi32, #tpu.memory_space<vmem>>, vector<16xi32>,
            %add3A_453 = vector.broadcast %mul3A_29 : i32 to vector<16xi32>
            %add3A_454 = arith.addi %get3A_452, %add3A_453 : vector<16xi32>
            %gather3A_455 = tpu.vector_load_idx %arg7[%add3A_454] : memref<672xf32, #tpu.memory_space<vmem>>[vector<16xi32>], vector<16xf32>,
            %swap3A_456 = arith.index_cast %scan3A_27 : i32 to index
            %swap3A_457 = arith.constant 752 : index
            %swap3A_458 = tpu.vector_load %arg6[%swap3A_456, %swap3A_457] {strides = array<i32>} : memref<8x1024xf32, #tpu.memory_space<vmem>>, vector<16xf32>,
            tpu.vector_store %arg6[%swap3A_456, %swap3A_457], %gather3A_455 {strides = array<i32>} : memref<8x1024xf32, #tpu.memory_space<vmem>>, vector<16xf32>,
            %get3A_459 = arith.index_cast %scan3A_27 : i32 to index
            %get3A_460 = arith.constant 768 : index
            %get3A_461 = tpu.vector_load %arg5[%get3A_459, %get3A_460] {strides = array<i32>} : memref<8x1024xi32, #tpu.memory_space<vmem>>, vector<16xi32>,
            %add3A_462 = vector.broadcast %mul3A_29 : i32 to vector<16xi32>
            %add3A_463 = arith.addi %get3A_461, %add3A_462 : vector<16xi32>
            %gather3A_464 = tpu.vector_load_idx %arg7[%add3A_463] : memref<672xf32, #tpu.memory_space<vmem>>[vector<16xi32>], vector<16xf32>,
            %swap3A_465 = arith.index_cast %scan3A_27 : i32 to index
            %swap3A_466 = arith.constant 768 : index
            %swap3A_467 = tpu.vector_load %arg6[%swap3A_465, %swap3A_466] {strides = array<i32>} : memref<8x1024xf32, #tpu.memory_space<vmem>>, vector<16xf32>,
            tpu.vector_store %arg6[%swap3A_465, %swap3A_466], %gather3A_464 {strides = array<i32>} : memref<8x1024xf32, #tpu.memory_space<vmem>>, vector<16xf32>,
            %get3A_468 = arith.index_cast %scan3A_27 : i32 to index
            %get3A_469 = arith.constant 784 : index
            %get3A_470 = tpu.vector_load %arg5[%get3A_468, %get3A_469] {strides = array<i32>} : memref<8x1024xi32, #tpu.memory_space<vmem>>, vector<16xi32>,
            %add3A_471 = vector.broadcast %mul3A_29 : i32 to vector<16xi32>
            %add3A_472 = arith.addi %get3A_470, %add3A_471 : vector<16xi32>
            %gather3A_473 = tpu.vector_load_idx %arg7[%add3A_472] : memref<672xf32, #tpu.memory_space<vmem>>[vector<16xi32>], vector<16xf32>,
            %swap3A_474 = arith.index_cast %scan3A_27 : i32 to index
            %swap3A_475 = arith.constant 784 : index
            %swap3A_476 = tpu.vector_load %arg6[%swap3A_474, %swap3A_475] {strides = array<i32>} : memref<8x1024xf32, #tpu.memory_space<vmem>>, vector<16xf32>,
            tpu.vector_store %arg6[%swap3A_474, %swap3A_475], %gather3A_473 {strides = array<i32>} : memref<8x1024xf32, #tpu.memory_space<vmem>>, vector<16xf32>,
            %get3A_477 = arith.index_cast %scan3A_27 : i32 to index
            %get3A_478 = arith.constant 800 : index
            %get3A_479 = tpu.vector_load %arg5[%get3A_477, %get3A_478] {strides = array<i32>} : memref<8x1024xi32, #tpu.memory_space<vmem>>, vector<16xi32>,
            %add3A_480 = vector.broadcast %mul3A_29 : i32 to vector<16xi32>
            %add3A_481 = arith.addi %get3A_479, %add3A_480 : vector<16xi32>
            %gather3A_482 = tpu.vector_load_idx %arg7[%add3A_481] : memref<672xf32, #tpu.memory_space<vmem>>[vector<16xi32>], vector<16xf32>,
            %swap3A_483 = arith.index_cast %scan3A_27 : i32 to index
            %swap3A_484 = arith.constant 800 : index
            %swap3A_485 = tpu.vector_load %arg6[%swap3A_483, %swap3A_484] {strides = array<i32>} : memref<8x1024xf32, #tpu.memory_space<vmem>>, vector<16xf32>,
            tpu.vector_store %arg6[%swap3A_483, %swap3A_484], %gather3A_482 {strides = array<i32>} : memref<8x1024xf32, #tpu.memory_space<vmem>>, vector<16xf32>,
            %get3A_486 = arith.index_cast %scan3A_27 : i32 to index
            %get3A_487 = arith.constant 816 : index
            %get3A_488 = tpu.vector_load %arg5[%get3A_486, %get3A_487] {strides = array<i32>} : memref<8x1024xi32, #tpu.memory_space<vmem>>, vector<16xi32>,
            %add3A_489 = vector.broadcast %mul3A_29 : i32 to vector<16xi32>
            %add3A_490 = arith.addi %get3A_488, %add3A_489 : vector<16xi32>
            %gather3A_491 = tpu.vector_load_idx %arg7[%add3A_490] : memref<672xf32, #tpu.memory_space<vmem>>[vector<16xi32>], vector<16xf32>,
            %swap3A_492 = arith.index_cast %scan3A_27 : i32 to index
            %swap3A_493 = arith.constant 816 : index
            %swap3A_494 = tpu.vector_load %arg6[%swap3A_492, %swap3A_493] {strides = array<i32>} : memref<8x1024xf32, #tpu.memory_space<vmem>>, vector<16xf32>,
            tpu.vector_store %arg6[%swap3A_492, %swap3A_493], %gather3A_491 {strides = array<i32>} : memref<8x1024xf32, #tpu.memory_space<vmem>>, vector<16xf32>,
            %get3A_495 = arith.index_cast %scan3A_27 : i32 to index
            %get3A_496 = arith.constant 832 : index
            %get3A_497 = tpu.vector_load %arg5[%get3A_495, %get3A_496] {strides = array<i32>} : memref<8x1024xi32, #tpu.memory_space<vmem>>, vector<16xi32>,
            %add3A_498 = vector.broadcast %mul3A_29 : i32 to vector<16xi32>
            %add3A_499 = arith.addi %get3A_497, %add3A_498 : vector<16xi32>
            %gather3A_500 = tpu.vector_load_idx %arg7[%add3A_499] : memref<672xf32, #tpu.memory_space<vmem>>[vector<16xi32>], vector<16xf32>,
            %swap3A_501 = arith.index_cast %scan3A_27 : i32 to index
            %swap3A_502 = arith.constant 832 : index
            %swap3A_503 = tpu.vector_load %arg6[%swap3A_501, %swap3A_502] {strides = array<i32>} : memref<8x1024xf32, #tpu.memory_space<vmem>>, vector<16xf32>,
            tpu.vector_store %arg6[%swap3A_501, %swap3A_502], %gather3A_500 {strides = array<i32>} : memref<8x1024xf32, #tpu.memory_space<vmem>>, vector<16xf32>,
            %get3A_504 = arith.index_cast %scan3A_27 : i32 to index
            %get3A_505 = arith.constant 848 : index
            %get3A_506 = tpu.vector_load %arg5[%get3A_504, %get3A_505] {strides = array<i32>} : memref<8x1024xi32, #tpu.memory_space<vmem>>, vector<16xi32>,
            %add3A_507 = vector.broadcast %mul3A_29 : i32 to vector<16xi32>
            %add3A_508 = arith.addi %get3A_506, %add3A_507 : vector<16xi32>
            %gather3A_509 = tpu.vector_load_idx %arg7[%add3A_508] : memref<672xf32, #tpu.memory_space<vmem>>[vector<16xi32>], vector<16xf32>,
            %swap3A_510 = arith.index_cast %scan3A_27 : i32 to index
            %swap3A_511 = arith.constant 848 : index
            %swap3A_512 = tpu.vector_load %arg6[%swap3A_510, %swap3A_511] {strides = array<i32>} : memref<8x1024xf32, #tpu.memory_space<vmem>>, vector<16xf32>,
            tpu.vector_store %arg6[%swap3A_510, %swap3A_511], %gather3A_509 {strides = array<i32>} : memref<8x1024xf32, #tpu.memory_space<vmem>>, vector<16xf32>,
            %get3A_513 = arith.index_cast %scan3A_27 : i32 to index
            %get3A_514 = arith.constant 864 : index
            %get3A_515 = tpu.vector_load %arg5[%get3A_513, %get3A_514] {strides = array<i32>} : memref<8x1024xi32, #tpu.memory_space<vmem>>, vector<16xi32>,
            %add3A_516 = vector.broadcast %mul3A_29 : i32 to vector<16xi32>
            %add3A_517 = arith.addi %get3A_515, %add3A_516 : vector<16xi32>
            %gather3A_518 = tpu.vector_load_idx %arg7[%add3A_517] : memref<672xf32, #tpu.memory_space<vmem>>[vector<16xi32>], vector<16xf32>,
            %swap3A_519 = arith.index_cast %scan3A_27 : i32 to index
            %swap3A_520 = arith.constant 864 : index
            %swap3A_521 = tpu.vector_load %arg6[%swap3A_519, %swap3A_520] {strides = array<i32>} : memref<8x1024xf32, #tpu.memory_space<vmem>>, vector<16xf32>,
            tpu.vector_store %arg6[%swap3A_519, %swap3A_520], %gather3A_518 {strides = array<i32>} : memref<8x1024xf32, #tpu.memory_space<vmem>>, vector<16xf32>,
            %get3A_522 = arith.index_cast %scan3A_27 : i32 to index
            %get3A_523 = arith.constant 880 : index
            %get3A_524 = tpu.vector_load %arg5[%get3A_522, %get3A_523] {strides = array<i32>} : memref<8x1024xi32, #tpu.memory_space<vmem>>, vector<16xi32>,
            %add3A_525 = vector.broadcast %mul3A_29 : i32 to vector<16xi32>
            %add3A_526 = arith.addi %get3A_524, %add3A_525 : vector<16xi32>
            %gather3A_527 = tpu.vector_load_idx %arg7[%add3A_526] : memref<672xf32, #tpu.memory_space<vmem>>[vector<16xi32>], vector<16xf32>,
            %swap3A_528 = arith.index_cast %scan3A_27 : i32 to index
            %swap3A_529 = arith.constant 880 : index
            %swap3A_530 = tpu.vector_load %arg6[%swap3A_528, %swap3A_529] {strides = array<i32>} : memref<8x1024xf32, #tpu.memory_space<vmem>>, vector<16xf32>,
            tpu.vector_store %arg6[%swap3A_528, %swap3A_529], %gather3A_527 {strides = array<i32>} : memref<8x1024xf32, #tpu.memory_space<vmem>>, vector<16xf32>,
            %get3A_531 = arith.index_cast %scan3A_27 : i32 to index
            %get3A_532 = arith.constant 896 : index
            %get3A_533 = tpu.vector_load %arg5[%get3A_531, %get3A_532] {strides = array<i32>} : memref<8x1024xi32, #tpu.memory_space<vmem>>, vector<16xi32>,
            %add3A_534 = vector.broadcast %mul3A_29 : i32 to vector<16xi32>
            %add3A_535 = arith.addi %get3A_533, %add3A_534 : vector<16xi32>
            %gather3A_536 = tpu.vector_load_idx %arg7[%add3A_535] : memref<672xf32, #tpu.memory_space<vmem>>[vector<16xi32>], vector<16xf32>,
            %swap3A_537 = arith.index_cast %scan3A_27 : i32 to index
            %swap3A_538 = arith.constant 896 : index
            %swap3A_539 = tpu.vector_load %arg6[%swap3A_537, %swap3A_538] {strides = array<i32>} : memref<8x1024xf32, #tpu.memory_space<vmem>>, vector<16xf32>,
            tpu.vector_store %arg6[%swap3A_537, %swap3A_538], %gather3A_536 {strides = array<i32>} : memref<8x1024xf32, #tpu.memory_space<vmem>>, vector<16xf32>,
            %get3A_540 = arith.index_cast %scan3A_27 : i32 to index
            %get3A_541 = arith.constant 912 : index
            %get3A_542 = tpu.vector_load %arg5[%get3A_540, %get3A_541] {strides = array<i32>} : memref<8x1024xi32, #tpu.memory_space<vmem>>, vector<16xi32>,
            %add3A_543 = vector.broadcast %mul3A_29 : i32 to vector<16xi32>
            %add3A_544 = arith.addi %get3A_542, %add3A_543 : vector<16xi32>
            %gather3A_545 = tpu.vector_load_idx %arg7[%add3A_544] : memref<672xf32, #tpu.memory_space<vmem>>[vector<16xi32>], vector<16xf32>,
            %swap3A_546 = arith.index_cast %scan3A_27 : i32 to index
            %swap3A_547 = arith.constant 912 : index
            %swap3A_548 = tpu.vector_load %arg6[%swap3A_546, %swap3A_547] {strides = array<i32>} : memref<8x1024xf32, #tpu.memory_space<vmem>>, vector<16xf32>,
            tpu.vector_store %arg6[%swap3A_546, %swap3A_547], %gather3A_545 {strides = array<i32>} : memref<8x1024xf32, #tpu.memory_space<vmem>>, vector<16xf32>,
            %get3A_549 = arith.index_cast %scan3A_27 : i32 to index
            %get3A_550 = arith.constant 928 : index
            %get3A_551 = tpu.vector_load %arg5[%get3A_549, %get3A_550] {strides = array<i32>} : memref<8x1024xi32, #tpu.memory_space<vmem>>, vector<16xi32>,
            %add3A_552 = vector.broadcast %mul3A_29 : i32 to vector<16xi32>
            %add3A_553 = arith.addi %get3A_551, %add3A_552 : vector<16xi32>
            %gather3A_554 = tpu.vector_load_idx %arg7[%add3A_553] : memref<672xf32, #tpu.memory_space<vmem>>[vector<16xi32>], vector<16xf32>,
            %swap3A_555 = arith.index_cast %scan3A_27 : i32 to index
            %swap3A_556 = arith.constant 928 : index
            %swap3A_557 = tpu.vector_load %arg6[%swap3A_555, %swap3A_556] {strides = array<i32>} : memref<8x1024xf32, #tpu.memory_space<vmem>>, vector<16xf32>,
            tpu.vector_store %arg6[%swap3A_555, %swap3A_556], %gather3A_554 {strides = array<i32>} : memref<8x1024xf32, #tpu.memory_space<vmem>>, vector<16xf32>,
            %get3A_558 = arith.index_cast %scan3A_27 : i32 to index
            %get3A_559 = arith.constant 944 : index
            %get3A_560 = tpu.vector_load %arg5[%get3A_558, %get3A_559] {strides = array<i32>} : memref<8x1024xi32, #tpu.memory_space<vmem>>, vector<16xi32>,
            %add3A_561 = vector.broadcast %mul3A_29 : i32 to vector<16xi32>
            %add3A_562 = arith.addi %get3A_560, %add3A_561 : vector<16xi32>
            %gather3A_563 = tpu.vector_load_idx %arg7[%add3A_562] : memref<672xf32, #tpu.memory_space<vmem>>[vector<16xi32>], vector<16xf32>,
            %swap3A_564 = arith.index_cast %scan3A_27 : i32 to index
            %swap3A_565 = arith.constant 944 : index
            %swap3A_566 = tpu.vector_load %arg6[%swap3A_564, %swap3A_565] {strides = array<i32>} : memref<8x1024xf32, #tpu.memory_space<vmem>>, vector<16xf32>,
            tpu.vector_store %arg6[%swap3A_564, %swap3A_565], %gather3A_563 {strides = array<i32>} : memref<8x1024xf32, #tpu.memory_space<vmem>>, vector<16xf32>,
            %get3A_567 = arith.index_cast %scan3A_27 : i32 to index
            %get3A_568 = arith.constant 960 : index
            %get3A_569 = tpu.vector_load %arg5[%get3A_567, %get3A_568] {strides = array<i32>} : memref<8x1024xi32, #tpu.memory_space<vmem>>, vector<16xi32>,
            %add3A_570 = vector.broadcast %mul3A_29 : i32 to vector<16xi32>
            %add3A_571 = arith.addi %get3A_569, %add3A_570 : vector<16xi32>
            %gather3A_572 = tpu.vector_load_idx %arg7[%add3A_571] : memref<672xf32, #tpu.memory_space<vmem>>[vector<16xi32>], vector<16xf32>,
            %swap3A_573 = arith.index_cast %scan3A_27 : i32 to index
            %swap3A_574 = arith.constant 960 : index
            %swap3A_575 = tpu.vector_load %arg6[%swap3A_573, %swap3A_574] {strides = array<i32>} : memref<8x1024xf32, #tpu.memory_space<vmem>>, vector<16xf32>,
            tpu.vector_store %arg6[%swap3A_573, %swap3A_574], %gather3A_572 {strides = array<i32>} : memref<8x1024xf32, #tpu.memory_space<vmem>>, vector<16xf32>,
            %get3A_576 = arith.index_cast %scan3A_27 : i32 to index
            %get3A_577 = arith.constant 976 : index
            %get3A_578 = tpu.vector_load %arg5[%get3A_576, %get3A_577] {strides = array<i32>} : memref<8x1024xi32, #tpu.memory_space<vmem>>, vector<16xi32>,
            %add3A_579 = vector.broadcast %mul3A_29 : i32 to vector<16xi32>
            %add3A_580 = arith.addi %get3A_578, %add3A_579 : vector<16xi32>
            %gather3A_581 = tpu.vector_load_idx %arg7[%add3A_580] : memref<672xf32, #tpu.memory_space<vmem>>[vector<16xi32>], vector<16xf32>,
            %swap3A_582 = arith.index_cast %scan3A_27 : i32 to index
            %swap3A_583 = arith.constant 976 : index
            %swap3A_584 = tpu.vector_load %arg6[%swap3A_582, %swap3A_583] {strides = array<i32>} : memref<8x1024xf32, #tpu.memory_space<vmem>>, vector<16xf32>,
            tpu.vector_store %arg6[%swap3A_582, %swap3A_583], %gather3A_581 {strides = array<i32>} : memref<8x1024xf32, #tpu.memory_space<vmem>>, vector<16xf32>,
            %get3A_585 = arith.index_cast %scan3A_27 : i32 to index
            %get3A_586 = arith.constant 992 : index
            %get3A_587 = tpu.vector_load %arg5[%get3A_585, %get3A_586] {strides = array<i32>} : memref<8x1024xi32, #tpu.memory_space<vmem>>, vector<16xi32>,
            %add3A_588 = vector.broadcast %mul3A_29 : i32 to vector<16xi32>
            %add3A_589 = arith.addi %get3A_587, %add3A_588 : vector<16xi32>
            %gather3A_590 = tpu.vector_load_idx %arg7[%add3A_589] : memref<672xf32, #tpu.memory_space<vmem>>[vector<16xi32>], vector<16xf32>,
            %swap3A_591 = arith.index_cast %scan3A_27 : i32 to index
            %swap3A_592 = arith.constant 992 : index
            %swap3A_593 = tpu.vector_load %arg6[%swap3A_591, %swap3A_592] {strides = array<i32>} : memref<8x1024xf32, #tpu.memory_space<vmem>>, vector<16xf32>,
            tpu.vector_store %arg6[%swap3A_591, %swap3A_592], %gather3A_590 {strides = array<i32>} : memref<8x1024xf32, #tpu.memory_space<vmem>>, vector<16xf32>,
            %get3A_594 = arith.index_cast %scan3A_27 : i32 to index
            %get3A_595 = arith.constant 1008 : index
            %get3A_596 = tpu.vector_load %arg5[%get3A_594, %get3A_595] {strides = array<i32>} : memref<8x1024xi32, #tpu.memory_space<vmem>>, vector<16xi32>,
            %add3A_597 = vector.broadcast %mul3A_29 : i32 to vector<16xi32>
            %add3A_598 = arith.addi %get3A_596, %add3A_597 : vector<16xi32>
            %gather3A_599 = tpu.vector_load_idx %arg7[%add3A_598] : memref<672xf32, #tpu.memory_space<vmem>>[vector<16xi32>], vector<16xf32>,
            %swap3A_600 = arith.index_cast %scan3A_27 : i32 to index
            %swap3A_601 = arith.constant 1008 : index
            %swap3A_602 = tpu.vector_load %arg6[%swap3A_600, %swap3A_601] {strides = array<i32>} : memref<8x1024xf32, #tpu.memory_space<vmem>>, vector<16xf32>,
            tpu.vector_store %arg6[%swap3A_600, %swap3A_601], %gather3A_599 {strides = array<i32>} : memref<8x1024xf32, #tpu.memory_space<vmem>>, vector<16xf32>,
          }
          %scan3A_23 = arith.constant 8 : i32
          %mul3A_24 = arith.constant 100 : i32
          %mul3A_25 = arith.muli %scan3A_18, %mul3A_24 : i32
          %add3A_26 = arith.addi %mul3A_25, %add3A_9 : i32
          "tpu.region"() ({
            %run_scoped3A = tpu.sem_alloc : memref<!tpu.dma_semaphore, #tpu.memory_space<semaphore_mem>>
            %dma_start3A = arith.constant 0 : i32
            %dma_start3A_27 = arith.constant 0 : i32
            %dma_start3A_28 = tpu.memref_slice %arg4[%add3A_26, %dma_start3A, %dma_start3A_27] : memref<2100x8x1024xf32, #tpu.memory_space<hbm>> -> memref<1x8x1024xf32, #tpu.memory_space<hbm>>
            %dma_start3A_29 = tpu.memref_squeeze %dma_start3A_28 : memref<1x8x1024xf32, #tpu.memory_space<hbm>> -> memref<8x1024xf32, #tpu.memory_space<hbm>>
            %dma_start3A_30 = arith.constant 0 : i32
            %dma_start3A_31 = arith.constant 0 : i32
            %dma_start3A_32 = tpu.memref_slice %arg4[%add3A_26, %dma_start3A_30, %dma_start3A_31] : memref<2100x8x1024xf32, #tpu.memory_space<hbm>> -> memref<1x8x1024xf32, #tpu.memory_space<hbm>>
            %dma_start3A_33 = tpu.memref_squeeze %dma_start3A_32 : memref<1x8x1024xf32, #tpu.memory_space<hbm>> -> memref<8x1024xf32, #tpu.memory_space<hbm>>
            tpu.enqueue_dma source(%arg6 : memref<8x1024xf32, #tpu.memory_space<vmem>>) target(%dma_start3A_33 : memref<8x1024xf32, #tpu.memory_space<hbm>>) target_semaphore(%run_scoped3A : memref<!tpu.dma_semaphore, #tpu.memory_space<semaphore_mem>>)
            %dma_wait3A = arith.constant 0 : i32
            %dma_wait3A_34 = arith.constant 0 : i32
            %dma_wait3A_35 = tpu.memref_slice %arg4[%add3A_26, %dma_wait3A, %dma_wait3A_34] : memref<2100x8x1024xf32, #tpu.memory_space<hbm>> -> memref<1x8x1024xf32, #tpu.memory_space<hbm>>
            %dma_wait3A_36 = tpu.memref_squeeze %dma_wait3A_35 : memref<1x8x1024xf32, #tpu.memory_space<hbm>> -> memref<8x1024xf32, #tpu.memory_space<hbm>>
            %dma_wait3A_37 = arith.constant 0 : i32
            %dma_wait3A_38 = arith.constant 0 : i32
            %dma_wait3A_39 = tpu.memref_slice %arg4[%add3A_26, %dma_wait3A_37, %dma_wait3A_38] : memref<2100x8x1024xf32, #tpu.memory_space<hbm>> -> memref<1x8x1024xf32, #tpu.memory_space<hbm>>
            %dma_wait3A_40 = tpu.memref_squeeze %dma_wait3A_39 : memref<1x8x1024xf32, #tpu.memory_space<hbm>> -> memref<8x1024xf32, #tpu.memory_space<hbm>>
            tpu.wait_dma2 semaphore(%run_scoped3A : memref<!tpu.dma_semaphore, #tpu.memory_space<semaphore_mem>>) src(%arg6 : memref<8x1024xf32, #tpu.memory_space<vmem>>) dst(%dma_wait3A_40 : memref<8x1024xf32, #tpu.memory_space<hbm>>)
            tpu.yield
          }) : () -> ()
        }
        %scan3A_17 = arith.constant 21 : i32
      } else {
      }
    }
    %scan3A_5 = arith.constant 4 : i32
    return
  }
}

</mosaic_0001>

<sc_bundles>
// kernel: kernel.3.cloned.1.call-start
scs
__scs_entry_jumppad:
0x0: {  	(pc) =	sbr.rel $0x88, $3  }
0x1: {  	(tag) =	ssettag $0x0;
	lr =	simm.s32 $0x1  }
0x2: {  	[smem:$0x3FA0] =	sst lr;
	_ =	strace $0xD0000000  }
0x3: {  	_ = 	snop  }
0x4: {  	_ = 	snop  }
0x5: {  	_ = 	snop  }
0x6: {  	_ = 	snop  }
0x7: {  	_ = 	snop  }
__scs_overlays_trampoline_lowered:
0x8: {  	[smem:$0x3FAF] =	sst s0  }
0x9: {  	[smem:$0x3FB0] =	sst s1  }
0xa: {  	[smem:$0x3FB1] =	sst s2  }
0xb: {  	[smem:$0x3FB2] =	sst s3  }
0xc: {  	[smem:$0x3FB3] =	sst s4  }
0xd: {  	[smem:$0x3FB4] =	sst s5  }
0xe: {  	[smem:$0x3FB5] =	sst s6  }
0xf: {  	[smem:$0x3FB6] =	sst s7  }
0x10: {  	[smem:$0x3FB7] =	sst s8  }
0x11: {  	[smem:$0x3FB8] =	sst s9;
	s0 =	simm.s32 @!p0 $0x0  }
0x12: {  	s1 =	sld [smem:$0x3F9E];
	s0 =	simm.s32 @p0 $0x1  }
0x13: {  	[smem:$0x3FB9] =	sst s0;
	s0 =	simm.s32 @!p1 $0x0  }
0x14: {  	s2 =	sld [smem:$0x3F9D];
	s0 =	simm.s32 @p1 $0x1  }
0x15: {  	[smem:$0x3FBA] =	sst s0;
	s0 =	simm.s32 @!p2 $0x0  }
0x16: {  	s3 =	sld [smem:$0x3FDB];
	s0 =	simm.s32 @p2 $0x1  }
0x17: {  	s4 =	simm.s32 $0x1BF5;
	[smem:$0x3FBC] =	sst s0  }
0x18: {  	s0 =	sld [smem:$0x3F9F];
	_ =	swait.ge [sflag:s4], $0x0  }
0x19: {  	s7 =	sld [smem:$0x3FA0]  }
0x1a: {  	s8 =	sadd.s32 $0xFFFFE003, lr  }
0x1b: {  	s9 =	sadd.s32 $0xFFFFFEF7, lr;
	s5 =	simm.s32 $0xFFFFFFFF;
	p2 =	slt.u32 s8, $0xFFFFF086  }
0x1c: {  	p1 =	slt.u32 s9, $0xF7A;
	s5 =	simm.s32 @!p2 $0x0  }
0x1d: {  	s5 =	simm.s32 @p1 $0x1;
	p0 =	seq.s32 s7, s2  }
0x1e: {  	s7 =	smul.u32 @!p0 $0xF7A, s2;
	p2 =	seq.s32 @!p0 s5, $0x0  }
0x1f: {  	s9 =	smul.u32 $0xF7A, s1;
	s8 =	simm.s32 @!p0 $0x1BF5;
	p2 =	por !p2, p0  }
0x20: {  	[sflag:s8] =	ssyncset.s32 @!p0 $0xFFFFF086;
	s6 =	sadd.s32 @!p0 s3, s7;
	s7 =	simm.s32 @!p0 $0x108  }
0x21: {  	s3 =	sadd.s32 s3, s9;
	s6 =	sadd.s32 @!p0 $0x88, s6;
	s7 =	simm.s32 @p2 $0x1082  }
0x22: {  	[simem:s7], [sflag:s8] =	dma.local @!p0 [hbm:s6], $0xF7A  }
0x23: {  	s9 =	sor.u32 $0xD0000000, s2;
	s6 =	simm.s32 $0x108;
	_ =	swait.ge @!p0 [sflag:s8], $0x0  }
0x24: {  	s3 =	sadd.s32 $0x88, s3;
	s6 =	simm.s32 @!p1 $0x1082;
	[sflag:s4] =	ssyncset.s32 $0xFFFFF086  }
0x25: {  	[simem:s6], [sflag:s4] =	dma.local [hbm:s3], $0xF7A  }
0x26: {  	[smem:$0x3FA0] =	sst s1;
	(tag) =	ssettag s2;
	_ =	strace s9  }
0x27: {  	s1 =	sld [smem:$0x3FB0]  }
0x28: {  	s2 =	sld [smem:$0x3FB1]  }
0x29: {  	s4 =	sld [smem:$0x3FB3]  }
0x2a: {  	p0 =	seq.s32 s5, $0x0;
	s5 =	sld [smem:$0x3FB4]  }
0x2b: {  	s6 =	sld [smem:$0x3FB5]  }
0x2c: {  	s7 =	sld [smem:$0x3FB6]  }
0x2d: {  	s3 =	simm.s32 $0x108;
	s8 =	sld [smem:$0x3FB7]  }
0x2e: {  	s3 =	simm.s32 @!p0 $0x1082;
	s9 =	sld [smem:$0x3FB8]  }
0x2f: {  	lr =	sadd.s32 s0, s3;
	s0 =	sld [smem:$0x3FAF]  }
0x30: {  	s3 =	sld [smem:$0x3FB2]  }
0x31: {  	[smem:$0x3FBB] =	sst s10  }
0x32: {  	s10 =	sld [smem:$0x3FB9];
	_ =	sdelay $0x3  }
0x33: {  	p0 =	seq.s32 s10, $0x1;
	s10 =	sld [smem:$0x3FBB];
	_ =	sdelay $0x3  }
0x34: {  	[smem:$0x3FBB] =	sst s10  }
0x35: {  	s10 =	sld [smem:$0x3FBA];
	_ =	sdelay $0x3  }
0x36: {  	p1 =	seq.s32 s10, $0x1;
	s10 =	sld [smem:$0x3FBB];
	_ =	sdelay $0x3  }
0x37: {  	[smem:$0x3FBB] =	sst s10  }
0x38: {  	s10 =	sld [smem:$0x3FBC]  }
0x39: {  	_ = 	snop;
	(pc) =	sbr.ind lr, $3  }
0x3a: {  	_ = 	snop  }
0x3b: {  	_ = 	snop  }
0x3c: {  	p2 =	seq.s32 s10, $0x1;
	s10 =	sld [smem:$0x3FBB]  }
0x3d: {  	_ =	shalt  }
0x3e: {  	_ =	shalt  }
0x3f: {  	_ =	shalt  }
0x40: {  	_ =	shalt  }
0x41: {  	_ =	shalt  }
0x42: {  	_ =	shalt  }
0x43: {  	_ =	shalt  }
0x44: {  	_ =	shalt  }
0x45: {  	_ =	shalt  }
0x46: {  	_ =	shalt  }
0x47: {  	_ =	shalt  }
0x48: {  	_ =	shalt  }
0x49: {  	_ =	shalt  }
0x4a: {  	_ =	shalt  }
0x4b: {  	_ =	shalt  }
0x4c: {  	_ =	shalt  }
0x4d: {  	_ =	shalt  }
0x4e: {  	_ =	shalt  }
0x4f: {  	_ =	shalt  }
0x50: {  	_ =	shalt  }
0x51: {  	_ =	shalt  }
0x52: {  	_ =	shalt  }
0x53: {  	_ =	shalt  }
0x54: {  	_ =	shalt  }
0x55: {  	_ =	shalt  }
0x56: {  	_ =	shalt  }
0x57: {  	_ =	shalt  }
0x58: {  	_ =	shalt  }
0x59: {  	_ =	shalt  }
0x5a: {  	_ =	shalt  }
0x5b: {  	_ =	shalt  }
0x5c: {  	_ =	shalt  }
0x5d: {  	_ =	shalt  }
0x5e: {  	_ =	shalt  }
0x5f: {  	_ =	shalt  }
0x60: {  	_ =	shalt  }
0x61: {  	_ =	shalt  }
0x62: {  	_ =	shalt  }
0x63: {  	_ =	shalt  }
0x64: {  	_ =	shalt  }
0x65: {  	_ =	shalt  }
0x66: {  	_ =	shalt  }
0x67: {  	_ =	shalt  }
0x68: {  	_ =	shalt  }
0x69: {  	_ =	shalt  }
0x6a: {  	_ =	shalt  }
0x6b: {  	_ =	shalt  }
0x6c: {  	_ =	shalt  }
0x6d: {  	_ =	shalt  }
0x6e: {  	_ =	shalt  }
0x6f: {  	_ =	shalt  }
0x70: {  	_ =	shalt  }
0x71: {  	_ =	shalt  }
0x72: {  	_ =	shalt  }
0x73: {  	_ =	shalt  }
0x74: {  	_ =	shalt  }
0x75: {  	_ =	shalt  }
0x76: {  	_ =	shalt  }
0x77: {  	_ =	shalt  }
0x78: {  	_ =	shalt  }
0x79: {  	_ =	shalt  }
0x7a: {  	_ =	shalt  }
0x7b: {  	_ =	shalt  }
0x7c: {  	_ =	shalt  }
0x7d: {  	_ =	shalt  }
0x7e: {  	_ =	shalt  }
0x7f: {  	_ =	shalt  }
0x80: {  	_ =	shalt  }
0x81: {  	_ =	shalt  }
0x82: {  	_ =	shalt  }
0x83: {  	_ =	shalt  }
0x84: {  	_ =	shalt  }
0x85: {  	_ =	shalt  }
0x86: {  	_ =	shalt  }
0x87: {  	_ =	shalt  }
.Lfunc_end0:
.L_simem_size_0:
called_computation.1_lowered:
.L_overlay_start_0:
0x88: {  	s2 =	sld [smem:$0x3FD9]  }
0x89: {  	s3 =	sld [smem:$0x3FFE];
	_ =	sdelay $0x1  }
0x8a: {  	s1 =	srdreg.scid  }
0x8b: {  	s0 =	sand.u32 $0x1, s1  }
0x8c: {  	s17 =	sshll.u32 s0, $0xA;
	s2 =	sadd.s32 s3, s2  }
0x8d: {  	s2 =	sadd.s32 s2, s17  }
0x8e: {  	[smem:$0x3FC7] =	sst s2  }
0x8f: {  	_ = 	snop  }
0x90: {  	s2 =	sld [smem:$0x3FD0];
	(tm) =	ssettm $0x1  }
0x91: {  	s18 =	sld [smem:$0x3FFB];
	_ =	sdelay $0x3  }
0x92: {  	_ =	strace s18  }
0x93: {  	s3 =	sld [smem:$0x3FFC];
	_ =	sdelay $0x3  }
0x94: {  	_ =	strace s3  }
0x95: {  	s3 =	sld [smem:$0x3FFD];
	_ =	sdelay $0x3  }
0x96: {  	_ =	strace s3  }
0x97: {  	_ =	strace $0x8FFFFFFF  }
0x98: {  	s19 =	sld [smem:$0x3FDB];
	_ =	sdelay $0x1  }
0x99: {  	s4 =	simm.s32 $_scs_section_size  }
0x9a: {  	s5 =	simm.s32 $_size__tile_overlayer_lowered;
	s6 =	simm.s32 $_tile_overlayer_lowered  }
0x9b: {  	s22 =	simm.s32 $0x1BFF;
	s21 =	sshll.u32 s6, $0x1;
	s3 =	sadd.s32 s4, s19  }
0x9c: {  	s7 =	simm.s32 $0x0;
	s20 =	sshll.u32 s5, $0x1;
	s5 =	sadd.s32 s21, s3  }
0x9d: {  	[timem:s7], [sflag:s22] =	dma.local [hbm:s5], s20  }
0x9e: {  	_ =	swait.ge [sflag:s22], s20  }
0x9f: {  	s4 =	ssub.s32 $0x0, s20;
	[sflag:s22] =	ssyncset.done $0x0  }
0xa0: {  	[sflag:s22] =	ssyncadd.s32 s4;
	_ =	sdelay $0x1  }
0xa1: {  	s23 =	simm.s32 $0x1B8B  }
0xa2: {  	_ =	swait.ge [sflag:s23], $0x1  }
0xa3: {  	[sflag:s23] =	ssyncset.done $0x0  }
0xa4: {  	s25 =	simm.s32 $0x1B8E;
	s24 =	sld [smem:$0x3FFE];
	[sflag:s23] =	ssyncadd.s32 $0xFFFFFFFF  }
0xa5: {  	s26 =	simm.s32 $execute0_lowered;
	[smem:$0x3FD2] =	sst s25  }
0xa6: {  	s5 =	sshll.u32 s26, $0x1;
	_ =	strace $0x80000046;
	[dreg:$0x1] =	wrdreg $0xFFFFFFFF  }
0xa7: {  	s28 =	simm.s32 $_size_execute0_lowered;
	s3 =	sadd.s32 s3, s5;
	[dreg:$0x0] =	wrdreg $0x0  }
0xa8: {  	s5 =	sshll.u32 s28, $0x1;
	[dreg:$0x2] =	wrdreg s3  }
0xa9: {  	[dreg:$0x3] =	wrdreg s5  }
0xaa: {  	[dreg:$0x4] =	wrdreg $0xC0  }
0xab: {  	_ =	task [dreg:s7], $0x5FFFF  }
0xac: {  	[dreg:$0x1] =	wrdreg $0xFFFFFFFF  }
0xad: {  	[dreg:$0x0] =	wrdreg $0x60  }
0xae: {  	[dreg:$0x2] =	wrdreg s24  }
0xaf: {  	[dreg:$0x3] =	wrdreg s2  }
0xb0: {  	[dreg:$0x4] =	wrdreg $0x9  }
0xb1: {  	_ =	task.clear_ibuf [dreg:s7], $0x5FFFF;
	_ =	strace $0x90000046  }
0xb2: {  	s29 =	simm.s32 $0x9;
	_ =	strace $0x80000048  }
0xb3: {  	_ =	swait.ge [sflag:s29], $0x1  }
0xb4: {  	[sflag:s29] =	ssyncadd.s32 $0xFFFFFFFF  }
0xb5: {  	_ =	strace $0x90000048  }
0xb6: {  	_ =	sfence  }
0xb7: {  	s30 =	sld [smem:$0x0];
	_ =	sdelay $0x2  }
0xb8: {  	s31 =	sshll.u32 s1, $0xD;
	s1 =	sshrl.u32 s1, $0x2  }
0xb9: {  	s3 =	sand.u32 $0x4000, s31;
	s1 =	sadd.s32 s1, s30  }
0xba: {  	s0 =	sor.u32 s3, s0;
	s1 =	sshll.u32 s1, $0x11  }
0xbb: {  	s0 =	sor.u32 s1, s0  }
0xbc: {  	s0 =	sadd.s32 $0x8F2B, s0  }
0xbd: {  	[sflag:s0] =	ssyncadd.remote.s32 $0x1  }
0xbe: {  	_ =	sfence.sel $0xFFFF  }
0xbf: {  	[dreg:$0x0] =	wrdreg $0xFFFFFFFF;
	(pc) =	sbr.abs _section_cstart, $3  }
0xc0: {  	[dreg:$0x1] =	wrdreg $0xFFFFFFFF  }
0xc1: {  	_ =	task.clear_ibuf [dreg:s7], $0x2FFFF;
	_ =	strace $0x9FFFFFFF  }
0xc2: {  	(tm) =	ssettm $0x7FFFFFFF  }
0xc3: {  	_ =	shalt  }
tec
execute0_lowered:
.L_overlay_start_1:
0x0: {  	(tag) =	ssettag $0x1  }
0x1: {  	s4 =	rddreg [dreg:$0x0]  }
0x2: {  	s1 =	rddreg [dreg:$0x1];
	s3 =	srdreg.scid  }
0x3: {  	s0 =	rddreg [dreg:$0x2];
	s2 =	simm.s32 $0x0;
	s9 =	simm.s32 $0x4000  }
.Ltmp0:
0x4: {  	s10 =	simm.s32 $0x1;
	s3 =	sand.u32 $0x1, s3;
	(pc) =	sbr.rel .LBB2_1-.Ltmp0, $4  }
0x5: {  	s11 =	simm.s32 $0x2000;
	s12 =	simm.s32 $0x0;
	s7 =	ssub.s32 $0x2, s3  }
0x6: {  	[smem:$0x7FF] =	sst s2;
	s5 =	sadd.s32 $0x800, s4;
	s8 =	sshrl.u32 s7, $0x1  }
0x7: {  	s6 =	sadd.s32 $0xA00, s4;
	s4 =	stileid.u32;
	s8 =	ssub.s32 s7, s8  }
0x8: {  	_ =	strace $0x80000047;
	s7 =	sshll.u32 s4, $0x1;
	s8 =	smax.u32 s8, $0x1  }
.LBB2_8:
0x9: {  	s12 =	sadd.s32 $0x1, s12  }
0xa: {  	p0 =	sne.s32 s12, s8  }
.Ltmp1:
0xb: {  	_ = 	snop;
	(pc) =	sbr.rel @!p0 .LBB2_9-.Ltmp1, $1  }
0xc: {  	_ =	sdelay $0x3  }
.LBB2_1:
.Ltmp2:
0xd: {  	(pc) =	sbr.rel .LBB2_2-.Ltmp2, $4  }
0xe: {  	[tilespmem:s9], [sflag:$0x1] =	stream.linear.gather [hbm4b:s5+s2], $0x300, $0x38;
	[tilespmem:$0x4300] =	vst v63  }
0xf: {  	_ =	swait.ge [sflag:s10], $0x300  }
0x10: {  	[sflag:s10] =	ssyncset.done $0x0  }
0x11: {  	s13 =	simm.s32 $0x0;
	[sflag:s10] =	ssyncadd.s32 $0xFFFFFD00  }
.LBB2_7:
0x12: {  	s13 =	sadd.s32 $0x1, s13  }
0x13: {  	p0 =	sne.s32 s13, $0x4  }
.Ltmp3:
0x14: {  	_ = 	snop;
	(pc) =	sbr.rel @!p0 .LBB2_8-.Ltmp3, $1  }
0x15: {  	_ =	sdelay $0x3  }
.LBB2_2:
0x16: {  	s14 =	sshll.u32 s13, $0x5  }
0x17: {  	s14 =	sor.u32 s7, s14  }
0x18: {  	p0 =	sgt.u32 s14, $0x63  }
.Ltmp4:
0x19: {  	_ = 	snop;
	(pc) =	sbr.rel @p0 .LBB2_7-.Ltmp4, $1  }
0x1a: {  	_ =	sdelay $0x3  }
0x1b: {  	s14 =	sor.u32 s3, s14  }
0x1c: {  	s15 =	sshll.u32 s14, $0xA  }
0x1d: {  	s16 =	sadd.s32 s1, s15;
	s15 =	simm.s32 $0x0  }
0x1e: {  	[tilespmem:s15], [sflag:$0x1] =	stream.linear.gather [hbm4b:s16+s15], $0x2000, $0x38;
	[tilespmem:$0x4300] =	vst v63  }
0x1f: {  	_ =	swait.ge [sflag:s10], $0x2000  }
0x20: {  	[sflag:s10] =	ssyncset.done $0x0  }
0x21: {  	[sflag:s10] =	ssyncadd.s32 $0xFFFFE000  }
.LBB2_4:
0x22: {  	s16 =	simm.s32 $0x0  }
0x23: {  	v1 =	vld [tilespmem:s16+$0x0];
	_ =	sdelay $0x2  }
0x24: {  	s17 =	sshll.u32 s15, $0x5  }
0x25: {  	v0 =	vmov s17  }
0x26: {  	v1 =	vadd.s32 v0, v1  }
0x27: {  	v2 =	vld [tilespmem:s16+$0x10];
	_ =	sdelay $0x3  }
0x28: {  	v1 =	vld.idx.msk [tilespmem:v1+s9+$0x0], $0xffff  }
0x29: {  	v2 =	vadd.s32 v0, v2  }
0x2a: {  	v3 =	vld [tilespmem:s16+$0x20];
	_ =	sdelay $0x2  }
0x2b: {  	[tilespmem:s16+$0x2000] =	vst v1  }
0x2c: {  	v1 =	vld.idx.msk [tilespmem:v2+s9+$0x0], $0xffff  }
0x2d: {  	v2 =	vadd.s32 v0, v3  }
0x2e: {  	v3 =	vld [tilespmem:s16+$0x30];
	_ =	sdelay $0x2  }
0x2f: {  	[tilespmem:s16+$0x2010] =	vst v1  }
0x30: {  	v1 =	vld.idx.msk [tilespmem:v2+s9+$0x0], $0xffff  }
0x31: {  	v2 =	vadd.s32 v0, v3  }
0x32: {  	v3 =	vld [tilespmem:s16+$0x40];
	_ =	sdelay $0x2  }
0x33: {  	[tilespmem:s16+$0x2020] =	vst v1  }
0x34: {  	v1 =	vld.idx.msk [tilespmem:v2+s9+$0x0], $0xffff  }
0x35: {  	v2 =	vadd.s32 v0, v3  }
0x36: {  	v3 =	vld [tilespmem:s16+$0x50];
	_ =	sdelay $0x2  }
0x37: {  	[tilespmem:s16+$0x2030] =	vst v1  }
0x38: {  	v1 =	vld.idx.msk [tilespmem:v2+s9+$0x0], $0xffff  }
0x39: {  	v2 =	vadd.s32 v0, v3  }
0x3a: {  	v3 =	vld [tilespmem:s16+$0x60];
	_ =	sdelay $0x2  }
0x3b: {  	[tilespmem:s16+$0x2040] =	vst v1  }
0x3c: {  	v1 =	vld.idx.msk [tilespmem:v2+s9+$0x0], $0xffff  }
0x3d: {  	v2 =	vadd.s32 v0, v3  }
0x3e: {  	v3 =	vld [tilespmem:s16+$0x70];
	_ =	sdelay $0x2  }
0x3f: {  	[tilespmem:s16+$0x2050] =	vst v1  }
0x40: {  	v1 =	vld.idx.msk [tilespmem:v2+s9+$0x0], $0xffff  }
0x41: {  	v2 =	vadd.s32 v0, v3  }
0x42: {  	v3 =	vld [tilespmem:s16+$0x400];
	_ =	sdelay $0x2  }
0x43: {  	[tilespmem:s16+$0x2060] =	vst v1  }
0x44: {  	v1 =	vld.idx.msk [tilespmem:v2+s9+$0x0], $0xffff  }
0x45: {  	v2 =	vadd.s32 v0, v3  }
0x46: {  	v3 =	vld [tilespmem:s16+$0x410];
	_ =	sdelay $0x2  }
0x47: {  	[tilespmem:s16+$0x2070] =	vst v1  }
0x48: {  	v1 =	vld.idx.msk [tilespmem:v2+s9+$0x0], $0xffff  }
0x49: {  	v2 =	vadd.s32 v0, v3  }
0x4a: {  	v3 =	vld [tilespmem:s16+$0x420];
	_ =	sdelay $0x2  }
0x4b: {  	[tilespmem:s16+$0x2400] =	vst v1  }
0x4c: {  	v1 =	vld.idx.msk [tilespmem:v2+s9+$0x0], $0xffff  }
0x4d: {  	v2 =	vadd.s32 v0, v3  }
0x4e: {  	v3 =	vld [tilespmem:s16+$0x430];
	_ =	sdelay $0x2  }
0x4f: {  	[tilespmem:s16+$0x2410] =	vst v1  }
0x50: {  	v1 =	vld.idx.msk [tilespmem:v2+s9+$0x0], $0xffff  }
0x51: {  	v2 =	vadd.s32 v0, v3  }
0x52: {  	v3 =	vld [tilespmem:s16+$0x440];
	_ =	sdelay $0x2  }
0x53: {  	[tilespmem:s16+$0x2420] =	vst v1  }
0x54: {  	v1 =	vld.idx.msk [tilespmem:v2+s9+$0x0], $0xffff  }
0x55: {  	v2 =	vadd.s32 v0, v3  }
0x56: {  	v3 =	vld [tilespmem:s16+$0x450];
	_ =	sdelay $0x2  }
0x57: {  	[tilespmem:s16+$0x2430] =	vst v1  }
0x58: {  	v1 =	vld.idx.msk [tilespmem:v2+s9+$0x0], $0xffff  }
0x59: {  	v2 =	vadd.s32 v0, v3  }
0x5a: {  	v3 =	vld [tilespmem:s16+$0x460];
	_ =	sdelay $0x2  }
0x5b: {  	[tilespmem:s16+$0x2440] =	vst v1  }
0x5c: {  	v1 =	vld.idx.msk [tilespmem:v2+s9+$0x0], $0xffff  }
0x5d: {  	v2 =	vadd.s32 v0, v3  }
0x5e: {  	v3 =	vld [tilespmem:s16+$0x470];
	_ =	sdelay $0x2  }
0x5f: {  	[tilespmem:s16+$0x2450] =	vst v1  }
0x60: {  	v1 =	vld.idx.msk [tilespmem:v2+s9+$0x0], $0xffff  }
0x61: {  	v2 =	vadd.s32 v0, v3  }
0x62: {  	v3 =	vld [tilespmem:s16+$0x800];
	_ =	sdelay $0x2  }
0x63: {  	[tilespmem:s16+$0x2460] =	vst v1  }
0x64: {  	v1 =	vld.idx.msk [tilespmem:v2+s9+$0x0], $0xffff  }
0x65: {  	v2 =	vadd.s32 v0, v3  }
0x66: {  	v3 =	vld [tilespmem:s16+$0x810];
	_ =	sdelay $0x2  }
0x67: {  	[tilespmem:s16+$0x2470] =	vst v1  }
0x68: {  	v1 =	vld.idx.msk [tilespmem:v2+s9+$0x0], $0xffff  }
0x69: {  	v2 =	vadd.s32 v0, v3  }
0x6a: {  	v3 =	vld [tilespmem:s16+$0x820];
	_ =	sdelay $0x2  }
0x6b: {  	[tilespmem:s16+$0x2800] =	vst v1  }
0x6c: {  	v1 =	vld.idx.msk [tilespmem:v2+s9+$0x0], $0xffff  }
0x6d: {  	v2 =	vadd.s32 v0, v3  }
0x6e: {  	v3 =	vld [tilespmem:s16+$0x830];
	_ =	sdelay $0x2  }
0x6f: {  	[tilespmem:s16+$0x2810] =	vst v1  }
0x70: {  	v1 =	vld.idx.msk [tilespmem:v2+s9+$0x0], $0xffff  }
0x71: {  	v2 =	vadd.s32 v0, v3  }
0x72: {  	v3 =	vld [tilespmem:s16+$0x840];
	_ =	sdelay $0x2  }
0x73: {  	[tilespmem:s16+$0x2820] =	vst v1  }
0x74: {  	v1 =	vld.idx.msk [tilespmem:v2+s9+$0x0], $0xffff  }
0x75: {  	v2 =	vadd.s32 v0, v3  }
0x76: {  	v3 =	vld [tilespmem:s16+$0x850];
	_ =	sdelay $0x2  }
0x77: {  	[tilespmem:s16+$0x2830] =	vst v1  }
0x78: {  	v1 =	vld.idx.msk [tilespmem:v2+s9+$0x0], $0xffff  }
0x79: {  	v2 =	vadd.s32 v0, v3  }
0x7a: {  	v3 =	vld [tilespmem:s16+$0x860];
	_ =	sdelay $0x2  }
0x7b: {  	[tilespmem:s16+$0x2840] =	vst v1  }
0x7c: {  	v1 =	vld.idx.msk [tilespmem:v2+s9+$0x0], $0xffff  }
0x7d: {  	v2 =	vadd.s32 v0, v3  }
0x7e: {  	v3 =	vld [tilespmem:s16+$0x870];
	_ =	sdelay $0x2  }
0x7f: {  	[tilespmem:s16+$0x2850] =	vst v1  }
0x80: {  	v1 =	vld.idx.msk [tilespmem:v2+s9+$0x0], $0xffff  }
0x81: {  	v2 =	vadd.s32 v0, v3  }
0x82: {  	v3 =	vld [tilespmem:s16+$0xC00];
	_ =	sdelay $0x2  }
0x83: {  	[tilespmem:s16+$0x2860] =	vst v1  }
0x84: {  	v1 =	vld.idx.msk [tilespmem:v2+s9+$0x0], $0xffff  }
0x85: {  	v2 =	vadd.s32 v0, v3  }
0x86: {  	v3 =	vld [tilespmem:s16+$0xC10];
	_ =	sdelay $0x2  }
0x87: {  	[tilespmem:s16+$0x2870] =	vst v1  }
0x88: {  	v1 =	vld.idx.msk [tilespmem:v2+s9+$0x0], $0xffff  }
0x89: {  	v2 =	vadd.s32 v0, v3  }
0x8a: {  	v3 =	vld [tilespmem:s16+$0xC20];
	_ =	sdelay $0x2  }
0x8b: {  	[tilespmem:s16+$0x2C00] =	vst v1  }
0x8c: {  	v1 =	vld.idx.msk [tilespmem:v2+s9+$0x0], $0xffff  }
0x8d: {  	v2 =	vadd.s32 v0, v3  }
0x8e: {  	v3 =	vld [tilespmem:s16+$0xC30];
	_ =	sdelay $0x2  }
0x8f: {  	[tilespmem:s16+$0x2C10] =	vst v1  }
0x90: {  	v1 =	vld.idx.msk [tilespmem:v2+s9+$0x0], $0xffff  }
0x91: {  	v2 =	vadd.s32 v0, v3  }
0x92: {  	v3 =	vld [tilespmem:s16+$0xC40];
	_ =	sdelay $0x2  }
0x93: {  	[tilespmem:s16+$0x2C20] =	vst v1  }
0x94: {  	v1 =	vld.idx.msk [tilespmem:v2+s9+$0x0], $0xffff  }
0x95: {  	v2 =	vadd.s32 v0, v3  }
0x96: {  	v3 =	vld [tilespmem:s16+$0xC50];
	_ =	sdelay $0x2  }
0x97: {  	[tilespmem:s16+$0x2C30] =	vst v1  }
0x98: {  	v1 =	vld.idx.msk [tilespmem:v2+s9+$0x0], $0xffff  }
0x99: {  	v2 =	vadd.s32 v0, v3  }
0x9a: {  	v3 =	vld [tilespmem:s16+$0xC60];
	_ =	sdelay $0x2  }
0x9b: {  	[tilespmem:s16+$0x2C40] =	vst v1  }
0x9c: {  	v1 =	vld.idx.msk [tilespmem:v2+s9+$0x0], $0xffff  }
0x9d: {  	v2 =	vadd.s32 v0, v3  }
0x9e: {  	v3 =	vld [tilespmem:s16+$0xC70];
	_ =	sdelay $0x2  }
0x9f: {  	[tilespmem:s16+$0x2C50] =	vst v1  }
0xa0: {  	v1 =	vld.idx.msk [tilespmem:v2+s9+$0x0], $0xffff  }
0xa1: {  	v2 =	vadd.s32 v0, v3  }
0xa2: {  	v3 =	vld [tilespmem:s16+$0x1000];
	_ =	sdelay $0x2  }
0xa3: {  	[tilespmem:s16+$0x2C60] =	vst v1  }
0xa4: {  	v1 =	vld.idx.msk [tilespmem:v2+s9+$0x0], $0xffff  }
0xa5: {  	v2 =	vadd.s32 v0, v3  }
0xa6: {  	v3 =	vld [tilespmem:s16+$0x1010];
	_ =	sdelay $0x2  }
0xa7: {  	[tilespmem:s16+$0x2C70] =	vst v1  }
0xa8: {  	v1 =	vld.idx.msk [tilespmem:v2+s9+$0x0], $0xffff  }
0xa9: {  	v2 =	vadd.s32 v0, v3  }
0xaa: {  	v3 =	vld [tilespmem:s16+$0x1020];
	_ =	sdelay $0x2  }
0xab: {  	[tilespmem:s16+$0x3000] =	vst v1  }
0xac: {  	v1 =	vld.idx.msk [tilespmem:v2+s9+$0x0], $0xffff  }
0xad: {  	v2 =	vadd.s32 v0, v3  }
0xae: {  	v3 =	vld [tilespmem:s16+$0x1030];
	_ =	sdelay $0x2  }
0xaf: {  	[tilespmem:s16+$0x3010] =	vst v1  }
0xb0: {  	v1 =	vld.idx.msk [tilespmem:v2+s9+$0x0], $0xffff  }
0xb1: {  	v2 =	vadd.s32 v0, v3  }
0xb2: {  	v3 =	vld [tilespmem:s16+$0x1040];
	_ =	sdelay $0x2  }
0xb3: {  	[tilespmem:s16+$0x3020] =	vst v1  }
0xb4: {  	v1 =	vld.idx.msk [tilespmem:v2+s9+$0x0], $0xffff  }
0xb5: {  	v2 =	vadd.s32 v0, v3  }
0xb6: {  	v3 =	vld [tilespmem:s16+$0x1050];
	_ =	sdelay $0x2  }
0xb7: {  	[tilespmem:s16+$0x3030] =	vst v1  }
0xb8: {  	v1 =	vld.idx.msk [tilespmem:v2+s9+$0x0], $0xffff  }
0xb9: {  	v2 =	vadd.s32 v0, v3  }
0xba: {  	v3 =	vld [tilespmem:s16+$0x1060];
	_ =	sdelay $0x2  }
0xbb: {  	[tilespmem:s16+$0x3040] =	vst v1  }
0xbc: {  	v1 =	vld.idx.msk [tilespmem:v2+s9+$0x0], $0xffff  }
0xbd: {  	v2 =	vadd.s32 v0, v3  }
0xbe: {  	v3 =	vld [tilespmem:s16+$0x1070];
	_ =	sdelay $0x2  }
0xbf: {  	[tilespmem:s16+$0x3050] =	vst v1  }
0xc0: {  	v1 =	vld.idx.msk [tilespmem:v2+s9+$0x0], $0xffff  }
0xc1: {  	v2 =	vadd.s32 v0, v3  }
0xc2: {  	v3 =	vld [tilespmem:s16+$0x1400];
	_ =	sdelay $0x2  }
0xc3: {  	[tilespmem:s16+$0x3060] =	vst v1  }
0xc4: {  	v1 =	vld.idx.msk [tilespmem:v2+s9+$0x0], $0xffff  }
0xc5: {  	v2 =	vadd.s32 v0, v3  }
0xc6: {  	v3 =	vld [tilespmem:s16+$0x1410];
	_ =	sdelay $0x2  }
0xc7: {  	[tilespmem:s16+$0x3070] =	vst v1  }
0xc8: {  	v1 =	vld.idx.msk [tilespmem:v2+s9+$0x0], $0xffff  }
0xc9: {  	v2 =	vadd.s32 v0, v3  }
0xca: {  	v3 =	vld [tilespmem:s16+$0x1420];
	_ =	sdelay $0x2  }
0xcb: {  	[tilespmem:s16+$0x3400] =	vst v1  }
0xcc: {  	v1 =	vld.idx.msk [tilespmem:v2+s9+$0x0], $0xffff  }
0xcd: {  	v2 =	vadd.s32 v0, v3  }
0xce: {  	v3 =	vld [tilespmem:s16+$0x1430];
	_ =	sdelay $0x2  }
0xcf: {  	[tilespmem:s16+$0x3410] =	vst v1  }
0xd0: {  	v1 =	vld.idx.msk [tilespmem:v2+s9+$0x0], $0xffff  }
0xd1: {  	v2 =	vadd.s32 v0, v3  }
0xd2: {  	v3 =	vld [tilespmem:s16+$0x1440];
	_ =	sdelay $0x2  }
0xd3: {  	[tilespmem:s16+$0x3420] =	vst v1  }
0xd4: {  	v1 =	vld.idx.msk [tilespmem:v2+s9+$0x0], $0xffff  }
0xd5: {  	v2 =	vadd.s32 v0, v3  }
0xd6: {  	v3 =	vld [tilespmem:s16+$0x1450];
	_ =	sdelay $0x2  }
0xd7: {  	[tilespmem:s16+$0x3430] =	vst v1  }
0xd8: {  	v1 =	vld.idx.msk [tilespmem:v2+s9+$0x0], $0xffff  }
0xd9: {  	v2 =	vadd.s32 v0, v3  }
0xda: {  	v3 =	vld [tilespmem:s16+$0x1460];
	_ =	sdelay $0x2  }
0xdb: {  	[tilespmem:s16+$0x3440] =	vst v1  }
0xdc: {  	v1 =	vld.idx.msk [tilespmem:v2+s9+$0x0], $0xffff  }
0xdd: {  	v2 =	vadd.s32 v0, v3  }
0xde: {  	v3 =	vld [tilespmem:s16+$0x1470];
	_ =	sdelay $0x2  }
0xdf: {  	[tilespmem:s16+$0x3450] =	vst v1  }
0xe0: {  	v1 =	vld.idx.msk [tilespmem:v2+s9+$0x0], $0xffff  }
0xe1: {  	v2 =	vadd.s32 v0, v3  }
0xe2: {  	v3 =	vld [tilespmem:s16+$0x1800];
	_ =	sdelay $0x2  }
0xe3: {  	[tilespmem:s16+$0x3460] =	vst v1  }
0xe4: {  	v1 =	vld.idx.msk [tilespmem:v2+s9+$0x0], $0xffff  }
0xe5: {  	v2 =	vadd.s32 v0, v3  }
0xe6: {  	v3 =	vld [tilespmem:s16+$0x1810];
	_ =	sdelay $0x2  }
0xe7: {  	[tilespmem:s16+$0x3470] =	vst v1  }
0xe8: {  	v1 =	vld.idx.msk [tilespmem:v2+s9+$0x0], $0xffff  }
0xe9: {  	v2 =	vadd.s32 v0, v3  }
0xea: {  	v3 =	vld [tilespmem:s16+$0x1820];
	_ =	sdelay $0x2  }
0xeb: {  	[tilespmem:s16+$0x3800] =	vst v1  }
0xec: {  	v1 =	vld.idx.msk [tilespmem:v2+s9+$0x0], $0xffff  }
0xed: {  	v2 =	vadd.s32 v0, v3  }
0xee: {  	v3 =	vld [tilespmem:s16+$0x1830];
	_ =	sdelay $0x2  }
0xef: {  	[tilespmem:s16+$0x3810] =	vst v1  }
0xf0: {  	v1 =	vld.idx.msk [tilespmem:v2+s9+$0x0], $0xffff  }
0xf1: {  	v2 =	vadd.s32 v0, v3  }
0xf2: {  	v3 =	vld [tilespmem:s16+$0x1840];
	_ =	sdelay $0x2  }
0xf3: {  	[tilespmem:s16+$0x3820] =	vst v1  }
0xf4: {  	v1 =	vld.idx.msk [tilespmem:v2+s9+$0x0], $0xffff  }
0xf5: {  	v2 =	vadd.s32 v0, v3  }
0xf6: {  	v3 =	vld [tilespmem:s16+$0x1850];
	_ =	sdelay $0x2  }
0xf7: {  	[tilespmem:s16+$0x3830] =	vst v1  }
0xf8: {  	v1 =	vld.idx.msk [tilespmem:v2+s9+$0x0], $0xffff  }
0xf9: {  	v2 =	vadd.s32 v0, v3  }
0xfa: {  	v3 =	vld [tilespmem:s16+$0x1860];
	_ =	sdelay $0x2  }
0xfb: {  	[tilespmem:s16+$0x3840] =	vst v1  }
0xfc: {  	v1 =	vld.idx.msk [tilespmem:v2+s9+$0x0], $0xffff  }
0xfd: {  	v2 =	vadd.s32 v0, v3  }
0xfe: {  	v3 =	vld [tilespmem:s16+$0x1870];
	_ =	sdelay $0x2  }
0xff: {  	[tilespmem:s16+$0x3850] =	vst v1  }
0x100: {  	v1 =	vld.idx.msk [tilespmem:v2+s9+$0x0], $0xffff  }
0x101: {  	v2 =	vadd.s32 v0, v3  }
0x102: {  	v3 =	vld [tilespmem:s16+$0x1C00];
	_ =	sdelay $0x2  }
0x103: {  	[tilespmem:s16+$0x3860] =	vst v1  }
0x104: {  	v1 =	vld.idx.msk [tilespmem:v2+s9+$0x0], $0xffff  }
0x105: {  	v2 =	vadd.s32 v0, v3  }
0x106: {  	v3 =	vld [tilespmem:s16+$0x1C10];
	_ =	sdelay $0x2  }
0x107: {  	[tilespmem:s16+$0x3870] =	vst v1  }
0x108: {  	v1 =	vld.idx.msk [tilespmem:v2+s9+$0x0], $0xffff  }
0x109: {  	v2 =	vadd.s32 v0, v3  }
0x10a: {  	v3 =	vld [tilespmem:s16+$0x1C20];
	_ =	sdelay $0x2  }
0x10b: {  	[tilespmem:s16+$0x3C00] =	vst v1  }
0x10c: {  	v1 =	vld.idx.msk [tilespmem:v2+s9+$0x0], $0xffff  }
0x10d: {  	v2 =	vadd.s32 v0, v3  }
0x10e: {  	v3 =	vld [tilespmem:s16+$0x1C30];
	_ =	sdelay $0x2  }
0x10f: {  	[tilespmem:s16+$0x3C10] =	vst v1  }
0x110: {  	v1 =	vld.idx.msk [tilespmem:v2+s9+$0x0], $0xffff  }
0x111: {  	v2 =	vadd.s32 v0, v3  }
0x112: {  	v3 =	vld [tilespmem:s16+$0x1C40];
	_ =	sdelay $0x2  }
0x113: {  	[tilespmem:s16+$0x3C20] =	vst v1  }
0x114: {  	v1 =	vld.idx.msk [tilespmem:v2+s9+$0x0], $0xffff  }
0x115: {  	v2 =	vadd.s32 v0, v3  }
0x116: {  	v3 =	vld [tilespmem:s16+$0x1C50];
	_ =	sdelay $0x2  }
0x117: {  	[tilespmem:s16+$0x3C30] =	vst v1  }
0x118: {  	v1 =	vld.idx.msk [tilespmem:v2+s9+$0x0], $0xffff  }
0x119: {  	v2 =	vadd.s32 v0, v3  }
0x11a: {  	v3 =	vld [tilespmem:s16+$0x1C60];
	_ =	sdelay $0x2  }
0x11b: {  	[tilespmem:s16+$0x3C40] =	vst v1  }
0x11c: {  	v1 =	vld.idx.msk [tilespmem:v2+s9+$0x0], $0xffff  }
0x11d: {  	v2 =	vadd.s32 v0, v3  }
0x11e: {  	v3 =	vld [tilespmem:s16+$0x1C70];
	_ =	sdelay $0x2  }
0x11f: {  	[tilespmem:s16+$0x3C50] =	vst v1  }
0x120: {  	v1 =	vld.idx.msk [tilespmem:v2+s9+$0x0], $0xffff  }
0x121: {  	v2 =	vadd.s32 v0, v3  }
0x122: {  	s18 =	simm.s32 $0x80;
	s17 =	simm.s32 $0x400  }
.LBB2_5:
0x123: {  	p0 =	sne.s32 s17, $0xE00;
	v3 =	vld [tilespmem:s18+$0x0];
	_ =	sdelay $0x1  }
0x124: {  	[tilespmem:s16+$0x3C60] =	vst v1  }
0x125: {  	v1 =	vld.idx.msk [tilespmem:v2+s9+$0x0], $0xffff;
	_ =	sdelay $0x1  }
0x126: {  	v2 =	vadd.s32 v0, v3;
	_ =	sdelay $0x1  }
0x127: {  	v3 =	vld [tilespmem:s18+$0x10];
	_ =	sdelay $0x1  }
0x128: {  	[tilespmem:s16+$0x3C70] =	vst v1;
	s16 =	smov.u32 s18  }
0x129: {  	v1 =	vld.idx.msk [tilespmem:v2+s9+$0x0], $0xffff;
	_ =	sdelay $0x1  }
0x12a: {  	v2 =	vadd.s32 v0, v3;
	_ =	sdelay $0x1  }
0x12b: {  	v3 =	vld [tilespmem:s16+$0x20];
	_ =	sdelay $0x1  }
0x12c: {  	[tilespmem:s16+$0x2000] =	vst v1  }
0x12d: {  	v1 =	vld.idx.msk [tilespmem:v2+s9+$0x0], $0xffff;
	_ =	sdelay $0x1  }
0x12e: {  	v2 =	vadd.s32 v0, v3;
	_ =	sdelay $0x1  }
0x12f: {  	v3 =	vld [tilespmem:s16+$0x30];
	_ =	sdelay $0x1  }
0x130: {  	[tilespmem:s16+$0x2010] =	vst v1  }
0x131: {  	v1 =	vld.idx.msk [tilespmem:v2+s9+$0x0], $0xffff;
	_ =	sdelay $0x1  }
0x132: {  	v2 =	vadd.s32 v0, v3;
	_ =	sdelay $0x1  }
0x133: {  	v3 =	vld [tilespmem:s16+$0x40];
	_ =	sdelay $0x1  }
0x134: {  	[tilespmem:s16+$0x2020] =	vst v1  }
0x135: {  	v1 =	vld.idx.msk [tilespmem:v2+s9+$0x0], $0xffff;
	_ =	sdelay $0x1  }
0x136: {  	v2 =	vadd.s32 v0, v3;
	_ =	sdelay $0x1  }
0x137: {  	v3 =	vld [tilespmem:s16+$0x50];
	_ =	sdelay $0x1  }
0x138: {  	[tilespmem:s16+$0x2030] =	vst v1  }
0x139: {  	v1 =	vld.idx.msk [tilespmem:v2+s9+$0x0], $0xffff;
	_ =	sdelay $0x1  }
0x13a: {  	v2 =	vadd.s32 v0, v3;
	_ =	sdelay $0x1  }
0x13b: {  	v3 =	vld [tilespmem:s16+$0x60];
	_ =	sdelay $0x1  }
0x13c: {  	[tilespmem:s16+$0x2040] =	vst v1  }
0x13d: {  	v1 =	vld.idx.msk [tilespmem:v2+s9+$0x0], $0xffff;
	_ =	sdelay $0x1  }
0x13e: {  	v2 =	vadd.s32 v0, v3;
	_ =	sdelay $0x1  }
0x13f: {  	v3 =	vld [tilespmem:s16+$0x70];
	_ =	sdelay $0x1  }
0x140: {  	[tilespmem:s16+$0x2050] =	vst v1  }
0x141: {  	v1 =	vld.idx.msk [tilespmem:v2+s9+$0x0], $0xffff;
	_ =	sdelay $0x1  }
0x142: {  	v2 =	vadd.s32 v0, v3;
	_ =	sdelay $0x1  }
0x143: {  	v3 =	vld [tilespmem:s16+$0x400];
	_ =	sdelay $0x1  }
0x144: {  	[tilespmem:s16+$0x2060] =	vst v1  }
0x145: {  	v1 =	vld.idx.msk [tilespmem:v2+s9+$0x0], $0xffff;
	_ =	sdelay $0x1  }
0x146: {  	v2 =	vadd.s32 v0, v3;
	_ =	sdelay $0x1  }
0x147: {  	v3 =	vld [tilespmem:s16+$0x410];
	_ =	sdelay $0x1  }
0x148: {  	[tilespmem:s16+$0x2070] =	vst v1  }
0x149: {  	v1 =	vld.idx.msk [tilespmem:v2+s9+$0x0], $0xffff;
	_ =	sdelay $0x1  }
0x14a: {  	v2 =	vadd.s32 v0, v3;
	_ =	sdelay $0x1  }
0x14b: {  	v3 =	vld [tilespmem:s16+$0x420];
	_ =	sdelay $0x1  }
0x14c: {  	[tilespmem:s16+$0x2400] =	vst v1  }
0x14d: {  	v1 =	vld.idx.msk [tilespmem:v2+s9+$0x0], $0xffff;
	_ =	sdelay $0x1  }
0x14e: {  	v2 =	vadd.s32 v0, v3;
	_ =	sdelay $0x1  }
0x14f: {  	v3 =	vld [tilespmem:s16+$0x430];
	_ =	sdelay $0x1  }
0x150: {  	[tilespmem:s16+$0x2410] =	vst v1  }
0x151: {  	v1 =	vld.idx.msk [tilespmem:v2+s9+$0x0], $0xffff;
	_ =	sdelay $0x1  }
0x152: {  	v2 =	vadd.s32 v0, v3;
	_ =	sdelay $0x1  }
0x153: {  	v3 =	vld [tilespmem:s16+$0x440];
	_ =	sdelay $0x1  }
0x154: {  	[tilespmem:s16+$0x2420] =	vst v1  }
0x155: {  	v1 =	vld.idx.msk [tilespmem:v2+s9+$0x0], $0xffff;
	_ =	sdelay $0x1  }
0x156: {  	v2 =	vadd.s32 v0, v3;
	_ =	sdelay $0x1  }
0x157: {  	v3 =	vld [tilespmem:s16+$0x450];
	_ =	sdelay $0x1  }
0x158: {  	[tilespmem:s16+$0x2430] =	vst v1  }
0x159: {  	v1 =	vld.idx.msk [tilespmem:v2+s9+$0x0], $0xffff;
	_ =	sdelay $0x1  }
0x15a: {  	v2 =	vadd.s32 v0, v3;
	_ =	sdelay $0x1  }
0x15b: {  	v3 =	vld [tilespmem:s16+$0x460];
	_ =	sdelay $0x1  }
0x15c: {  	[tilespmem:s16+$0x2440] =	vst v1  }
0x15d: {  	v1 =	vld.idx.msk [tilespmem:v2+s9+$0x0], $0xffff;
	_ =	sdelay $0x1  }
0x15e: {  	v2 =	vadd.s32 v0, v3;
	_ =	sdelay $0x1  }
0x15f: {  	v3 =	vld [tilespmem:s16+$0x470];
	_ =	sdelay $0x1  }
0x160: {  	[tilespmem:s16+$0x2450] =	vst v1  }
0x161: {  	v1 =	vld.idx.msk [tilespmem:v2+s9+$0x0], $0xffff;
	_ =	sdelay $0x1  }
0x162: {  	v2 =	vadd.s32 v0, v3;
	_ =	sdelay $0x1  }
0x163: {  	v3 =	vld [tilespmem:s16+$0x800];
	_ =	sdelay $0x1  }
0x164: {  	[tilespmem:s16+$0x2460] =	vst v1  }
0x165: {  	v1 =	vld.idx.msk [tilespmem:v2+s9+$0x0], $0xffff;
	_ =	sdelay $0x1  }
0x166: {  	v2 =	vadd.s32 v0, v3;
	_ =	sdelay $0x1  }
0x167: {  	v3 =	vld [tilespmem:s16+$0x810];
	_ =	sdelay $0x1  }
0x168: {  	[tilespmem:s16+$0x2470] =	vst v1  }
0x169: {  	v1 =	vld.idx.msk [tilespmem:v2+s9+$0x0], $0xffff;
	_ =	sdelay $0x1  }
0x16a: {  	v2 =	vadd.s32 v0, v3;
	_ =	sdelay $0x1  }
0x16b: {  	v3 =	vld [tilespmem:s16+$0x820];
	_ =	sdelay $0x1  }
0x16c: {  	[tilespmem:s16+$0x2800] =	vst v1  }
0x16d: {  	v1 =	vld.idx.msk [tilespmem:v2+s9+$0x0], $0xffff;
	_ =	sdelay $0x1  }
0x16e: {  	v2 =	vadd.s32 v0, v3;
	_ =	sdelay $0x1  }
0x16f: {  	v3 =	vld [tilespmem:s16+$0x830];
	_ =	sdelay $0x1  }
0x170: {  	[tilespmem:s16+$0x2810] =	vst v1  }
0x171: {  	v1 =	vld.idx.msk [tilespmem:v2+s9+$0x0], $0xffff;
	_ =	sdelay $0x1  }
0x172: {  	v2 =	vadd.s32 v0, v3;
	_ =	sdelay $0x1  }
0x173: {  	v3 =	vld [tilespmem:s16+$0x840];
	_ =	sdelay $0x1  }
0x174: {  	[tilespmem:s16+$0x2820] =	vst v1  }
0x175: {  	v1 =	vld.idx.msk [tilespmem:v2+s9+$0x0], $0xffff;
	_ =	sdelay $0x1  }
0x176: {  	v2 =	vadd.s32 v0, v3;
	_ =	sdelay $0x1  }
0x177: {  	v3 =	vld [tilespmem:s16+$0x850];
	_ =	sdelay $0x1  }
0x178: {  	[tilespmem:s16+$0x2830] =	vst v1  }
0x179: {  	v1 =	vld.idx.msk [tilespmem:v2+s9+$0x0], $0xffff;
	_ =	sdelay $0x1  }
0x17a: {  	v2 =	vadd.s32 v0, v3;
	_ =	sdelay $0x1  }
0x17b: {  	v3 =	vld [tilespmem:s16+$0x860];
	_ =	sdelay $0x1  }
0x17c: {  	[tilespmem:s16+$0x2840] =	vst v1  }
0x17d: {  	v1 =	vld.idx.msk [tilespmem:v2+s9+$0x0], $0xffff;
	_ =	sdelay $0x1  }
0x17e: {  	v2 =	vadd.s32 v0, v3;
	_ =	sdelay $0x1  }
0x17f: {  	v3 =	vld [tilespmem:s16+$0x870];
	_ =	sdelay $0x1  }
0x180: {  	[tilespmem:s16+$0x2850] =	vst v1  }
0x181: {  	v1 =	vld.idx.msk [tilespmem:v2+s9+$0x0], $0xffff;
	_ =	sdelay $0x1  }
0x182: {  	v2 =	vadd.s32 v0, v3;
	_ =	sdelay $0x1  }
0x183: {  	v3 =	vld [tilespmem:s16+$0xC00];
	_ =	sdelay $0x1  }
0x184: {  	[tilespmem:s16+$0x2860] =	vst v1  }
0x185: {  	v1 =	vld.idx.msk [tilespmem:v2+s9+$0x0], $0xffff;
	_ =	sdelay $0x1  }
0x186: {  	v2 =	vadd.s32 v0, v3;
	_ =	sdelay $0x1  }
0x187: {  	v3 =	vld [tilespmem:s16+$0xC10];
	_ =	sdelay $0x1  }
0x188: {  	[tilespmem:s16+$0x2870] =	vst v1  }
0x189: {  	v1 =	vld.idx.msk [tilespmem:v2+s9+$0x0], $0xffff;
	_ =	sdelay $0x1  }
0x18a: {  	v2 =	vadd.s32 v0, v3;
	_ =	sdelay $0x1  }
0x18b: {  	v3 =	vld [tilespmem:s16+$0xC20];
	_ =	sdelay $0x1  }
0x18c: {  	[tilespmem:s16+$0x2C00] =	vst v1  }
0x18d: {  	v1 =	vld.idx.msk [tilespmem:v2+s9+$0x0], $0xffff;
	_ =	sdelay $0x1  }
0x18e: {  	v2 =	vadd.s32 v0, v3;
	_ =	sdelay $0x1  }
0x18f: {  	v3 =	vld [tilespmem:s16+$0xC30];
	_ =	sdelay $0x1  }
0x190: {  	[tilespmem:s16+$0x2C10] =	vst v1  }
0x191: {  	v1 =	vld.idx.msk [tilespmem:v2+s9+$0x0], $0xffff;
	_ =	sdelay $0x1  }
0x192: {  	v2 =	vadd.s32 v0, v3;
	_ =	sdelay $0x1  }
0x193: {  	v3 =	vld [tilespmem:s16+$0xC40];
	_ =	sdelay $0x1  }
0x194: {  	[tilespmem:s16+$0x2C20] =	vst v1  }
0x195: {  	v1 =	vld.idx.msk [tilespmem:v2+s9+$0x0], $0xffff;
	_ =	sdelay $0x1  }
0x196: {  	v2 =	vadd.s32 v0, v3;
	_ =	sdelay $0x1  }
0x197: {  	v3 =	vld [tilespmem:s16+$0xC50];
	_ =	sdelay $0x1  }
0x198: {  	[tilespmem:s16+$0x2C30] =	vst v1  }
0x199: {  	v1 =	vld.idx.msk [tilespmem:v2+s9+$0x0], $0xffff;
	_ =	sdelay $0x1  }
0x19a: {  	v2 =	vadd.s32 v0, v3;
	_ =	sdelay $0x1  }
0x19b: {  	v3 =	vld [tilespmem:s16+$0xC60];
	_ =	sdelay $0x1  }
0x19c: {  	[tilespmem:s16+$0x2C40] =	vst v1  }
0x19d: {  	v1 =	vld.idx.msk [tilespmem:v2+s9+$0x0], $0xffff;
	_ =	sdelay $0x1  }
0x19e: {  	v2 =	vadd.s32 v0, v3;
	_ =	sdelay $0x1  }
0x19f: {  	v3 =	vld [tilespmem:s16+$0xC70];
	_ =	sdelay $0x1  }
0x1a0: {  	[tilespmem:s16+$0x2C50] =	vst v1  }
0x1a1: {  	v1 =	vld.idx.msk [tilespmem:v2+s9+$0x0], $0xffff;
	_ =	sdelay $0x1  }
0x1a2: {  	v2 =	vadd.s32 v0, v3;
	_ =	sdelay $0x1  }
0x1a3: {  	v3 =	vld [tilespmem:s16+$0x1000];
	_ =	sdelay $0x1  }
0x1a4: {  	[tilespmem:s16+$0x2C60] =	vst v1  }
0x1a5: {  	v1 =	vld.idx.msk [tilespmem:v2+s9+$0x0], $0xffff;
	_ =	sdelay $0x1  }
0x1a6: {  	v2 =	vadd.s32 v0, v3;
	_ =	sdelay $0x1  }
0x1a7: {  	v3 =	vld [tilespmem:s16+$0x1010];
	_ =	sdelay $0x1  }
0x1a8: {  	[tilespmem:s16+$0x2C70] =	vst v1  }
0x1a9: {  	v1 =	vld.idx.msk [tilespmem:v2+s9+$0x0], $0xffff;
	_ =	sdelay $0x1  }
0x1aa: {  	v2 =	vadd.s32 v0, v3;
	_ =	sdelay $0x1  }
0x1ab: {  	v3 =	vld [tilespmem:s16+$0x1020];
	_ =	sdelay $0x1  }
0x1ac: {  	[tilespmem:s16+$0x3000] =	vst v1  }
0x1ad: {  	v1 =	vld.idx.msk [tilespmem:v2+s9+$0x0], $0xffff;
	_ =	sdelay $0x1  }
0x1ae: {  	v2 =	vadd.s32 v0, v3;
	_ =	sdelay $0x1  }
0x1af: {  	v3 =	vld [tilespmem:s16+$0x1030];
	_ =	sdelay $0x1  }
0x1b0: {  	[tilespmem:s16+$0x3010] =	vst v1  }
0x1b1: {  	v1 =	vld.idx.msk [tilespmem:v2+s9+$0x0], $0xffff;
	_ =	sdelay $0x1  }
0x1b2: {  	v2 =	vadd.s32 v0, v3;
	_ =	sdelay $0x1  }
0x1b3: {  	v3 =	vld [tilespmem:s16+$0x1040];
	_ =	sdelay $0x1  }
0x1b4: {  	[tilespmem:s16+$0x3020] =	vst v1  }
0x1b5: {  	v1 =	vld.idx.msk [tilespmem:v2+s9+$0x0], $0xffff;
	_ =	sdelay $0x1  }
0x1b6: {  	v2 =	vadd.s32 v0, v3;
	_ =	sdelay $0x1  }
0x1b7: {  	v3 =	vld [tilespmem:s16+$0x1050];
	_ =	sdelay $0x1  }
0x1b8: {  	[tilespmem:s16+$0x3030] =	vst v1  }
0x1b9: {  	v1 =	vld.idx.msk [tilespmem:v2+s9+$0x0], $0xffff;
	_ =	sdelay $0x1  }
0x1ba: {  	v2 =	vadd.s32 v0, v3;
	_ =	sdelay $0x1  }
0x1bb: {  	v3 =	vld [tilespmem:s16+$0x1060];
	_ =	sdelay $0x1  }
0x1bc: {  	[tilespmem:s16+$0x3040] =	vst v1  }
0x1bd: {  	v1 =	vld.idx.msk [tilespmem:v2+s9+$0x0], $0xffff;
	_ =	sdelay $0x1  }
0x1be: {  	v2 =	vadd.s32 v0, v3;
	_ =	sdelay $0x1  }
0x1bf: {  	v3 =	vld [tilespmem:s16+$0x1070];
	_ =	sdelay $0x1  }
0x1c0: {  	[tilespmem:s16+$0x3050] =	vst v1  }
0x1c1: {  	v1 =	vld.idx.msk [tilespmem:v2+s9+$0x0], $0xffff;
	_ =	sdelay $0x1  }
0x1c2: {  	v2 =	vadd.s32 v0, v3;
	_ =	sdelay $0x1  }
0x1c3: {  	v3 =	vld [tilespmem:s16+$0x1400];
	_ =	sdelay $0x1  }
0x1c4: {  	[tilespmem:s16+$0x3060] =	vst v1  }
0x1c5: {  	v1 =	vld.idx.msk [tilespmem:v2+s9+$0x0], $0xffff;
	_ =	sdelay $0x1  }
0x1c6: {  	v2 =	vadd.s32 v0, v3;
	_ =	sdelay $0x1  }
0x1c7: {  	v3 =	vld [tilespmem:s16+$0x1410];
	_ =	sdelay $0x1  }
0x1c8: {  	[tilespmem:s16+$0x3070] =	vst v1  }
0x1c9: {  	v1 =	vld.idx.msk [tilespmem:v2+s9+$0x0], $0xffff;
	_ =	sdelay $0x1  }
0x1ca: {  	v2 =	vadd.s32 v0, v3;
	_ =	sdelay $0x1  }
0x1cb: {  	v3 =	vld [tilespmem:s16+$0x1420];
	_ =	sdelay $0x1  }
0x1cc: {  	[tilespmem:s16+$0x3400] =	vst v1  }
0x1cd: {  	v1 =	vld.idx.msk [tilespmem:v2+s9+$0x0], $0xffff;
	_ =	sdelay $0x1  }
0x1ce: {  	v2 =	vadd.s32 v0, v3;
	_ =	sdelay $0x1  }
0x1cf: {  	v3 =	vld [tilespmem:s16+$0x1430];
	_ =	sdelay $0x1  }
0x1d0: {  	[tilespmem:s16+$0x3410] =	vst v1  }
0x1d1: {  	v1 =	vld.idx.msk [tilespmem:v2+s9+$0x0], $0xffff;
	_ =	sdelay $0x1  }
0x1d2: {  	v2 =	vadd.s32 v0, v3;
	_ =	sdelay $0x1  }
0x1d3: {  	v3 =	vld [tilespmem:s16+$0x1440];
	_ =	sdelay $0x1  }
0x1d4: {  	[tilespmem:s16+$0x3420] =	vst v1  }
0x1d5: {  	v1 =	vld.idx.msk [tilespmem:v2+s9+$0x0], $0xffff;
	_ =	sdelay $0x1  }
0x1d6: {  	v2 =	vadd.s32 v0, v3;
	_ =	sdelay $0x1  }
0x1d7: {  	v3 =	vld [tilespmem:s16+$0x1450];
	_ =	sdelay $0x1  }
0x1d8: {  	[tilespmem:s16+$0x3430] =	vst v1  }
0x1d9: {  	v1 =	vld.idx.msk [tilespmem:v2+s9+$0x0], $0xffff;
	_ =	sdelay $0x1  }
0x1da: {  	v2 =	vadd.s32 v0, v3;
	_ =	sdelay $0x1  }
0x1db: {  	v3 =	vld [tilespmem:s16+$0x1460];
	_ =	sdelay $0x1  }
0x1dc: {  	[tilespmem:s16+$0x3440] =	vst v1  }
0x1dd: {  	v1 =	vld.idx.msk [tilespmem:v2+s9+$0x0], $0xffff;
	_ =	sdelay $0x1  }
0x1de: {  	v2 =	vadd.s32 v0, v3;
	_ =	sdelay $0x1  }
0x1df: {  	v3 =	vld [tilespmem:s16+$0x1470];
	_ =	sdelay $0x1  }
0x1e0: {  	[tilespmem:s16+$0x3450] =	vst v1  }
0x1e1: {  	v1 =	vld.idx.msk [tilespmem:v2+s9+$0x0], $0xffff;
	_ =	sdelay $0x1  }
0x1e2: {  	v2 =	vadd.s32 v0, v3;
	_ =	sdelay $0x1  }
0x1e3: {  	v3 =	vld [tilespmem:s16+$0x1800];
	_ =	sdelay $0x1  }
0x1e4: {  	[tilespmem:s16+$0x3460] =	vst v1  }
0x1e5: {  	v1 =	vld.idx.msk [tilespmem:v2+s9+$0x0], $0xffff;
	_ =	sdelay $0x1  }
0x1e6: {  	v2 =	vadd.s32 v0, v3;
	_ =	sdelay $0x1  }
0x1e7: {  	v3 =	vld [tilespmem:s16+$0x1810];
	_ =	sdelay $0x1  }
0x1e8: {  	[tilespmem:s16+$0x3470] =	vst v1  }
0x1e9: {  	v1 =	vld.idx.msk [tilespmem:v2+s9+$0x0], $0xffff;
	_ =	sdelay $0x1  }
0x1ea: {  	v2 =	vadd.s32 v0, v3;
	_ =	sdelay $0x1  }
0x1eb: {  	v3 =	vld [tilespmem:s16+$0x1820];
	_ =	sdelay $0x1  }
0x1ec: {  	[tilespmem:s16+$0x3800] =	vst v1  }
0x1ed: {  	v1 =	vld.idx.msk [tilespmem:v2+s9+$0x0], $0xffff;
	_ =	sdelay $0x1  }
0x1ee: {  	v2 =	vadd.s32 v0, v3;
	_ =	sdelay $0x1  }
0x1ef: {  	v3 =	vld [tilespmem:s16+$0x1830];
	_ =	sdelay $0x1  }
0x1f0: {  	[tilespmem:s16+$0x3810] =	vst v1  }
0x1f1: {  	v1 =	vld.idx.msk [tilespmem:v2+s9+$0x0], $0xffff;
	_ =	sdelay $0x1  }
0x1f2: {  	v2 =	vadd.s32 v0, v3;
	_ =	sdelay $0x1  }
0x1f3: {  	v3 =	vld [tilespmem:s16+$0x1840];
	_ =	sdelay $0x1  }
0x1f4: {  	[tilespmem:s16+$0x3820] =	vst v1  }
0x1f5: {  	v1 =	vld.idx.msk [tilespmem:v2+s9+$0x0], $0xffff;
	_ =	sdelay $0x1  }
0x1f6: {  	v2 =	vadd.s32 v0, v3;
	_ =	sdelay $0x1  }
0x1f7: {  	v3 =	vld [tilespmem:s16+$0x1850];
	_ =	sdelay $0x1  }
0x1f8: {  	[tilespmem:s16+$0x3830] =	vst v1  }
0x1f9: {  	v1 =	vld.idx.msk [tilespmem:v2+s9+$0x0], $0xffff;
	_ =	sdelay $0x1  }
0x1fa: {  	v2 =	vadd.s32 v0, v3;
	_ =	sdelay $0x1  }
0x1fb: {  	v3 =	vld [tilespmem:s16+$0x1860];
	_ =	sdelay $0x1  }
0x1fc: {  	[tilespmem:s16+$0x3840] =	vst v1  }
0x1fd: {  	v1 =	vld.idx.msk [tilespmem:v2+s9+$0x0], $0xffff;
	_ =	sdelay $0x1  }
0x1fe: {  	v2 =	vadd.s32 v0, v3;
	_ =	sdelay $0x1  }
0x1ff: {  	v3 =	vld [tilespmem:s16+$0x1870];
	_ =	sdelay $0x1  }
0x200: {  	[tilespmem:s16+$0x3850] =	vst v1  }
0x201: {  	v1 =	vld.idx.msk [tilespmem:v2+s9+$0x0], $0xffff;
	_ =	sdelay $0x1  }
0x202: {  	v2 =	vadd.s32 v0, v3;
	_ =	sdelay $0x1  }
0x203: {  	v3 =	vld [tilespmem:s16+$0x1C00];
	_ =	sdelay $0x1  }
0x204: {  	[tilespmem:s16+$0x3860] =	vst v1  }
0x205: {  	v1 =	vld.idx.msk [tilespmem:v2+s9+$0x0], $0xffff;
	_ =	sdelay $0x1  }
0x206: {  	v2 =	vadd.s32 v0, v3;
	_ =	sdelay $0x1  }
0x207: {  	v3 =	vld [tilespmem:s16+$0x1C10];
	_ =	sdelay $0x1  }
0x208: {  	[tilespmem:s16+$0x3870] =	vst v1  }
0x209: {  	v1 =	vld.idx.msk [tilespmem:v2+s9+$0x0], $0xffff;
	_ =	sdelay $0x1  }
0x20a: {  	v2 =	vadd.s32 v0, v3;
	_ =	sdelay $0x1  }
0x20b: {  	v3 =	vld [tilespmem:s16+$0x1C20];
	_ =	sdelay $0x1  }
0x20c: {  	[tilespmem:s16+$0x3C00] =	vst v1  }
0x20d: {  	v1 =	vld.idx.msk [tilespmem:v2+s9+$0x0], $0xffff;
	_ =	sdelay $0x1  }
0x20e: {  	v2 =	vadd.s32 v0, v3;
	_ =	sdelay $0x1  }
0x20f: {  	v3 =	vld [tilespmem:s16+$0x1C30];
	_ =	sdelay $0x1  }
0x210: {  	[tilespmem:s16+$0x3C10] =	vst v1  }
0x211: {  	v1 =	vld.idx.msk [tilespmem:v2+s9+$0x0], $0xffff;
	_ =	sdelay $0x1  }
0x212: {  	v2 =	vadd.s32 v0, v3;
	_ =	sdelay $0x1  }
0x213: {  	v3 =	vld [tilespmem:s16+$0x1C40];
	_ =	sdelay $0x1  }
0x214: {  	[tilespmem:s16+$0x3C20] =	vst v1  }
0x215: {  	v1 =	vld.idx.msk [tilespmem:v2+s9+$0x0], $0xffff;
	_ =	sdelay $0x1  }
0x216: {  	v2 =	vadd.s32 v0, v3;
	_ =	sdelay $0x1  }
0x217: {  	v3 =	vld [tilespmem:s16+$0x1C50];
	_ =	sdelay $0x1  }
0x218: {  	[tilespmem:s16+$0x3C30] =	vst v1  }
0x219: {  	v1 =	vld.idx.msk [tilespmem:v2+s9+$0x0], $0xffff;
	_ =	sdelay $0x1  }
0x21a: {  	v2 =	vadd.s32 v0, v3;
	_ =	sdelay $0x1  }
0x21b: {  	v3 =	vld [tilespmem:s16+$0x1C60];
	_ =	sdelay $0x1  }
0x21c: {  	[tilespmem:s16+$0x3C40] =	vst v1  }
0x21d: {  	v1 =	vld.idx.msk [tilespmem:v2+s9+$0x0], $0xffff;
	_ =	sdelay $0x1  }
0x21e: {  	v2 =	vadd.s32 v0, v3;
	_ =	sdelay $0x1  }
0x21f: {  	v3 =	vld [tilespmem:s16+$0x1C70];
	_ =	sdelay $0x1  }
.Ltmp5:
0x220: {  	[tilespmem:s16+$0x3C50] =	vst v1;
	(pc) =	sbr.rel @p0 .LBB2_5-.Ltmp5, $3  }
0x221: {  	v1 =	vld.idx.msk [tilespmem:v2+s9+$0x0], $0xffff;
	_ =	sdelay $0x1  }
0x222: {  	v2 =	vadd.s32 v0, v3  }
0x223: {  	s18 =	sshra.s32 s17, $0x2;
	s17 =	sadd.s32 $0x200, s17  }
0x224: {  	v3 =	vld [tilespmem:s18+$0x0];
	_ =	sdelay $0x2  }
0x225: {  	[tilespmem:s16+$0x3C60] =	vst v1  }
0x226: {  	v1 =	vld.idx.msk [tilespmem:v2+s9+$0x0], $0xffff  }
0x227: {  	v53 =	vadd.s32 v0, v3  }
0x228: {  	v54 =	vld [tilespmem:s18+$0x10];
	_ =	sdelay $0x2  }
0x229: {  	[tilespmem:s16+$0x3C70] =	vst v1  }
0x22a: {  	v1 =	vld.idx.msk [tilespmem:v53+s9+$0x0], $0xffff  }
0x22b: {  	v55 =	vadd.s32 v0, v54  }
0x22c: {  	v56 =	vld [tilespmem:s18+$0x20];
	_ =	sdelay $0x2  }
0x22d: {  	[tilespmem:s18+$0x2000] =	vst v1  }
0x22e: {  	v1 =	vld.idx.msk [tilespmem:v55+s9+$0x0], $0xffff  }
0x22f: {  	v57 =	vadd.s32 v0, v56  }
0x230: {  	v58 =	vld [tilespmem:s18+$0x30];
	_ =	sdelay $0x2  }
0x231: {  	[tilespmem:s18+$0x2010] =	vst v1  }
0x232: {  	v1 =	vld.idx.msk [tilespmem:v57+s9+$0x0], $0xffff  }
0x233: {  	v59 =	vadd.s32 v0, v58  }
0x234: {  	v60 =	vld [tilespmem:s18+$0x40];
	_ =	sdelay $0x2  }
0x235: {  	[tilespmem:s18+$0x2020] =	vst v1  }
0x236: {  	v1 =	vld.idx.msk [tilespmem:v59+s9+$0x0], $0xffff  }
0x237: {  	v61 =	vadd.s32 v0, v60  }
0x238: {  	v62 =	vld [tilespmem:s18+$0x50];
	_ =	sdelay $0x2  }
0x239: {  	[tilespmem:s18+$0x2030] =	vst v1  }
0x23a: {  	v1 =	vld.idx.msk [tilespmem:v61+s9+$0x0], $0xffff  }
0x23b: {  	v63 =	vadd.s32 v0, v62  }
0x23c: {  	v6 =	vld [tilespmem:s18+$0x60];
	_ =	sdelay $0x2  }
0x23d: {  	[tilespmem:s18+$0x2040] =	vst v1  }
0x23e: {  	v1 =	vld.idx.msk [tilespmem:v63+s9+$0x0], $0xffff  }
0x23f: {  	v7 =	vadd.s32 v0, v6  }
0x240: {  	v8 =	vld [tilespmem:s18+$0x70];
	_ =	sdelay $0x2  }
0x241: {  	[tilespmem:s18+$0x2050] =	vst v1  }
0x242: {  	v1 =	vld.idx.msk [tilespmem:v7+s9+$0x0], $0xffff  }
0x243: {  	v9 =	vadd.s32 v0, v8  }
0x244: {  	v10 =	vld [tilespmem:s18+$0x400];
	_ =	sdelay $0x2  }
0x245: {  	[tilespmem:s18+$0x2060] =	vst v1  }
0x246: {  	v1 =	vld.idx.msk [tilespmem:v9+s9+$0x0], $0xffff  }
0x247: {  	v11 =	vadd.s32 v0, v10  }
0x248: {  	v12 =	vld [tilespmem:s18+$0x410];
	_ =	sdelay $0x2  }
0x249: {  	[tilespmem:s18+$0x2070] =	vst v1  }
0x24a: {  	v1 =	vld.idx.msk [tilespmem:v11+s9+$0x0], $0xffff  }
0x24b: {  	v13 =	vadd.s32 v0, v12  }
0x24c: {  	v14 =	vld [tilespmem:s18+$0x420];
	_ =	sdelay $0x2  }
0x24d: {  	[tilespmem:s18+$0x2400] =	vst v1  }
0x24e: {  	v1 =	vld.idx.msk [tilespmem:v13+s9+$0x0], $0xffff  }
0x24f: {  	v15 =	vadd.s32 v0, v14  }
0x250: {  	v16 =	vld [tilespmem:s18+$0x430];
	_ =	sdelay $0x2  }
0x251: {  	[tilespmem:s18+$0x2410] =	vst v1  }
0x252: {  	v1 =	vld.idx.msk [tilespmem:v15+s9+$0x0], $0xffff  }
0x253: {  	v17 =	vadd.s32 v0, v16  }
0x254: {  	v18 =	vld [tilespmem:s18+$0x440];
	_ =	sdelay $0x2  }
0x255: {  	[tilespmem:s18+$0x2420] =	vst v1  }
0x256: {  	v1 =	vld.idx.msk [tilespmem:v17+s9+$0x0], $0xffff  }
0x257: {  	v19 =	vadd.s32 v0, v18  }
0x258: {  	v20 =	vld [tilespmem:s18+$0x450];
	_ =	sdelay $0x2  }
0x259: {  	[tilespmem:s18+$0x2430] =	vst v1  }
0x25a: {  	v1 =	vld.idx.msk [tilespmem:v19+s9+$0x0], $0xffff  }
0x25b: {  	v21 =	vadd.s32 v0, v20  }
0x25c: {  	v22 =	vld [tilespmem:s18+$0x460];
	_ =	sdelay $0x2  }
0x25d: {  	[tilespmem:s18+$0x2440] =	vst v1  }
0x25e: {  	v1 =	vld.idx.msk [tilespmem:v21+s9+$0x0], $0xffff  }
0x25f: {  	v23 =	vadd.s32 v0, v22  }
0x260: {  	v24 =	vld [tilespmem:s18+$0x470];
	_ =	sdelay $0x2  }
0x261: {  	[tilespmem:s18+$0x2450] =	vst v1  }
0x262: {  	v1 =	vld.idx.msk [tilespmem:v23+s9+$0x0], $0xffff  }
0x263: {  	v25 =	vadd.s32 v0, v24  }
0x264: {  	v26 =	vld [tilespmem:s18+$0x800];
	_ =	sdelay $0x2  }
0x265: {  	[tilespmem:s18+$0x2460] =	vst v1  }
0x266: {  	v1 =	vld.idx.msk [tilespmem:v25+s9+$0x0], $0xffff  }
0x267: {  	v27 =	vadd.s32 v0, v26  }
0x268: {  	v28 =	vld [tilespmem:s18+$0x810];
	_ =	sdelay $0x2  }
0x269: {  	[tilespmem:s18+$0x2470] =	vst v1  }
0x26a: {  	v1 =	vld.idx.msk [tilespmem:v27+s9+$0x0], $0xffff  }
0x26b: {  	v29 =	vadd.s32 v0, v28  }
0x26c: {  	v30 =	vld [tilespmem:s18+$0x820];
	_ =	sdelay $0x2  }
0x26d: {  	[tilespmem:s18+$0x2800] =	vst v1  }
0x26e: {  	v1 =	vld.idx.msk [tilespmem:v29+s9+$0x0], $0xffff  }
0x26f: {  	v31 =	vadd.s32 v0, v30  }
0x270: {  	v32 =	vld [tilespmem:s18+$0x830];
	_ =	sdelay $0x2  }
0x271: {  	[tilespmem:s18+$0x2810] =	vst v1  }
0x272: {  	v1 =	vld.idx.msk [tilespmem:v31+s9+$0x0], $0xffff  }
0x273: {  	v33 =	vadd.s32 v0, v32  }
0x274: {  	v34 =	vld [tilespmem:s18+$0x840];
	_ =	sdelay $0x2  }
0x275: {  	[tilespmem:s18+$0x2820] =	vst v1  }
0x276: {  	v1 =	vld.idx.msk [tilespmem:v33+s9+$0x0], $0xffff  }
0x277: {  	v35 =	vadd.s32 v0, v34  }
0x278: {  	v36 =	vld [tilespmem:s18+$0x850];
	_ =	sdelay $0x2  }
0x279: {  	[tilespmem:s18+$0x2830] =	vst v1  }
0x27a: {  	v1 =	vld.idx.msk [tilespmem:v35+s9+$0x0], $0xffff  }
0x27b: {  	v37 =	vadd.s32 v0, v36  }
0x27c: {  	v38 =	vld [tilespmem:s18+$0x860];
	_ =	sdelay $0x2  }
0x27d: {  	[tilespmem:s18+$0x2840] =	vst v1  }
0x27e: {  	v1 =	vld.idx.msk [tilespmem:v37+s9+$0x0], $0xffff  }
0x27f: {  	v39 =	vadd.s32 v0, v38  }
0x280: {  	v40 =	vld [tilespmem:s18+$0x870];
	_ =	sdelay $0x2  }
0x281: {  	[tilespmem:s18+$0x2850] =	vst v1  }
0x282: {  	v1 =	vld.idx.msk [tilespmem:v39+s9+$0x0], $0xffff  }
0x283: {  	v41 =	vadd.s32 v0, v40  }
0x284: {  	v42 =	vld [tilespmem:s18+$0xC00];
	_ =	sdelay $0x2  }
0x285: {  	[tilespmem:s18+$0x2860] =	vst v1  }
0x286: {  	v1 =	vld.idx.msk [tilespmem:v41+s9+$0x0], $0xffff  }
0x287: {  	v43 =	vadd.s32 v0, v42  }
0x288: {  	v44 =	vld [tilespmem:s18+$0xC10];
	_ =	sdelay $0x2  }
0x289: {  	[tilespmem:s18+$0x2870] =	vst v1  }
0x28a: {  	v1 =	vld.idx.msk [tilespmem:v43+s9+$0x0], $0xffff  }
0x28b: {  	v45 =	vadd.s32 v0, v44  }
0x28c: {  	v46 =	vld [tilespmem:s18+$0xC20];
	_ =	sdelay $0x2  }
0x28d: {  	[tilespmem:s18+$0x2C00] =	vst v1  }
0x28e: {  	v1 =	vld.idx.msk [tilespmem:v45+s9+$0x0], $0xffff  }
0x28f: {  	v47 =	vadd.s32 v0, v46  }
0x290: {  	v48 =	vld [tilespmem:s18+$0xC30];
	_ =	sdelay $0x2  }
0x291: {  	[tilespmem:s18+$0x2C10] =	vst v1  }
0x292: {  	v1 =	vld.idx.msk [tilespmem:v47+s9+$0x0], $0xffff  }
0x293: {  	v49 =	vadd.s32 v0, v48  }
0x294: {  	v50 =	vld [tilespmem:s18+$0xC40];
	_ =	sdelay $0x2  }
0x295: {  	[tilespmem:s18+$0x2C20] =	vst v1  }
0x296: {  	v1 =	vld.idx.msk [tilespmem:v49+s9+$0x0], $0xffff  }
0x297: {  	v51 =	vadd.s32 v0, v50  }
0x298: {  	v52 =	vld [tilespmem:s18+$0xC50];
	_ =	sdelay $0x2  }
0x299: {  	[tilespmem:s18+$0x2C30] =	vst v1  }
0x29a: {  	v1 =	vld.idx.msk [tilespmem:v51+s9+$0x0], $0xffff  }
0x29b: {  	v53 =	vadd.s32 v0, v52  }
0x29c: {  	v54 =	vld [tilespmem:s18+$0xC60];
	_ =	sdelay $0x2  }
0x29d: {  	[tilespmem:s18+$0x2C40] =	vst v1  }
0x29e: {  	v1 =	vld.idx.msk [tilespmem:v53+s9+$0x0], $0xffff  }
0x29f: {  	v55 =	vadd.s32 v0, v54  }
0x2a0: {  	v56 =	vld [tilespmem:s18+$0xC70];
	_ =	sdelay $0x2  }
0x2a1: {  	[tilespmem:s18+$0x2C50] =	vst v1  }
0x2a2: {  	v1 =	vld.idx.msk [tilespmem:v55+s9+$0x0], $0xffff  }
0x2a3: {  	v57 =	vadd.s32 v0, v56  }
0x2a4: {  	v58 =	vld [tilespmem:s18+$0x1000];
	_ =	sdelay $0x2  }
0x2a5: {  	[tilespmem:s18+$0x2C60] =	vst v1  }
0x2a6: {  	v1 =	vld.idx.msk [tilespmem:v57+s9+$0x0], $0xffff  }
0x2a7: {  	v59 =	vadd.s32 v0, v58  }
0x2a8: {  	v60 =	vld [tilespmem:s18+$0x1010];
	_ =	sdelay $0x2  }
0x2a9: {  	[tilespmem:s18+$0x2C70] =	vst v1  }
0x2aa: {  	v1 =	vld.idx.msk [tilespmem:v59+s9+$0x0], $0xffff  }
0x2ab: {  	v61 =	vadd.s32 v0, v60  }
0x2ac: {  	v62 =	vld [tilespmem:s18+$0x1020];
	_ =	sdelay $0x2  }
0x2ad: {  	[tilespmem:s18+$0x3000] =	vst v1  }
0x2ae: {  	v1 =	vld.idx.msk [tilespmem:v61+s9+$0x0], $0xffff  }
0x2af: {  	v63 =	vadd.s32 v0, v62  }
0x2b0: {  	v6 =	vld [tilespmem:s18+$0x1030];
	_ =	sdelay $0x2  }
0x2b1: {  	[tilespmem:s18+$0x3010] =	vst v1  }
0x2b2: {  	v1 =	vld.idx.msk [tilespmem:v63+s9+$0x0], $0xffff  }
0x2b3: {  	v7 =	vadd.s32 v0, v6  }
0x2b4: {  	v8 =	vld [tilespmem:s18+$0x1040];
	_ =	sdelay $0x2  }
0x2b5: {  	[tilespmem:s18+$0x3020] =	vst v1  }
0x2b6: {  	v1 =	vld.idx.msk [tilespmem:v7+s9+$0x0], $0xffff  }
0x2b7: {  	v9 =	vadd.s32 v0, v8  }
0x2b8: {  	v10 =	vld [tilespmem:s18+$0x1050];
	_ =	sdelay $0x2  }
0x2b9: {  	[tilespmem:s18+$0x3030] =	vst v1  }
0x2ba: {  	v1 =	vld.idx.msk [tilespmem:v9+s9+$0x0], $0xffff  }
0x2bb: {  	v11 =	vadd.s32 v0, v10  }
0x2bc: {  	v12 =	vld [tilespmem:s18+$0x1060];
	_ =	sdelay $0x2  }
0x2bd: {  	[tilespmem:s18+$0x3040] =	vst v1  }
0x2be: {  	v1 =	vld.idx.msk [tilespmem:v11+s9+$0x0], $0xffff  }
0x2bf: {  	v13 =	vadd.s32 v0, v12  }
0x2c0: {  	v14 =	vld [tilespmem:s18+$0x1070];
	_ =	sdelay $0x2  }
0x2c1: {  	[tilespmem:s18+$0x3050] =	vst v1  }
0x2c2: {  	v1 =	vld.idx.msk [tilespmem:v13+s9+$0x0], $0xffff  }
0x2c3: {  	v15 =	vadd.s32 v0, v14  }
0x2c4: {  	v16 =	vld [tilespmem:s18+$0x1400];
	_ =	sdelay $0x2  }
0x2c5: {  	[tilespmem:s18+$0x3060] =	vst v1  }
0x2c6: {  	v1 =	vld.idx.msk [tilespmem:v15+s9+$0x0], $0xffff  }
0x2c7: {  	v17 =	vadd.s32 v0, v16  }
0x2c8: {  	v18 =	vld [tilespmem:s18+$0x1410];
	_ =	sdelay $0x2  }
0x2c9: {  	[tilespmem:s18+$0x3070] =	vst v1  }
0x2ca: {  	v1 =	vld.idx.msk [tilespmem:v17+s9+$0x0], $0xffff  }
0x2cb: {  	v19 =	vadd.s32 v0, v18  }
0x2cc: {  	v20 =	vld [tilespmem:s18+$0x1420];
	_ =	sdelay $0x2  }
0x2cd: {  	[tilespmem:s18+$0x3400] =	vst v1  }
0x2ce: {  	v1 =	vld.idx.msk [tilespmem:v19+s9+$0x0], $0xffff  }
0x2cf: {  	v21 =	vadd.s32 v0, v20  }
0x2d0: {  	v22 =	vld [tilespmem:s18+$0x1430];
	_ =	sdelay $0x2  }
0x2d1: {  	[tilespmem:s18+$0x3410] =	vst v1  }
0x2d2: {  	v1 =	vld.idx.msk [tilespmem:v21+s9+$0x0], $0xffff  }
0x2d3: {  	v23 =	vadd.s32 v0, v22  }
0x2d4: {  	v24 =	vld [tilespmem:s18+$0x1440];
	_ =	sdelay $0x2  }
0x2d5: {  	[tilespmem:s18+$0x3420] =	vst v1  }
0x2d6: {  	v1 =	vld.idx.msk [tilespmem:v23+s9+$0x0], $0xffff  }
0x2d7: {  	v25 =	vadd.s32 v0, v24  }
0x2d8: {  	v26 =	vld [tilespmem:s18+$0x1450];
	_ =	sdelay $0x2  }
0x2d9: {  	[tilespmem:s18+$0x3430] =	vst v1  }
0x2da: {  	v1 =	vld.idx.msk [tilespmem:v25+s9+$0x0], $0xffff  }
0x2db: {  	v27 =	vadd.s32 v0, v26  }
0x2dc: {  	v28 =	vld [tilespmem:s18+$0x1460];
	_ =	sdelay $0x2  }
0x2dd: {  	[tilespmem:s18+$0x3440] =	vst v1  }
0x2de: {  	v1 =	vld.idx.msk [tilespmem:v27+s9+$0x0], $0xffff  }
0x2df: {  	v29 =	vadd.s32 v0, v28  }
0x2e0: {  	v30 =	vld [tilespmem:s18+$0x1470];
	_ =	sdelay $0x2  }
0x2e1: {  	[tilespmem:s18+$0x3450] =	vst v1  }
0x2e2: {  	v1 =	vld.idx.msk [tilespmem:v29+s9+$0x0], $0xffff  }
0x2e3: {  	v31 =	vadd.s32 v0, v30  }
0x2e4: {  	v32 =	vld [tilespmem:s18+$0x1800];
	_ =	sdelay $0x2  }
0x2e5: {  	[tilespmem:s18+$0x3460] =	vst v1  }
0x2e6: {  	v1 =	vld.idx.msk [tilespmem:v31+s9+$0x0], $0xffff  }
0x2e7: {  	v33 =	vadd.s32 v0, v32  }
0x2e8: {  	v34 =	vld [tilespmem:s18+$0x1810];
	_ =	sdelay $0x2  }
0x2e9: {  	[tilespmem:s18+$0x3470] =	vst v1  }
0x2ea: {  	v1 =	vld.idx.msk [tilespmem:v33+s9+$0x0], $0xffff  }
0x2eb: {  	v35 =	vadd.s32 v0, v34  }
0x2ec: {  	v36 =	vld [tilespmem:s18+$0x1820];
	_ =	sdelay $0x2  }
0x2ed: {  	[tilespmem:s18+$0x3800] =	vst v1  }
0x2ee: {  	v1 =	vld.idx.msk [tilespmem:v35+s9+$0x0], $0xffff  }
0x2ef: {  	v37 =	vadd.s32 v0, v36  }
0x2f0: {  	v38 =	vld [tilespmem:s18+$0x1830];
	_ =	sdelay $0x2  }
0x2f1: {  	[tilespmem:s18+$0x3810] =	vst v1  }
0x2f2: {  	v1 =	vld.idx.msk [tilespmem:v37+s9+$0x0], $0xffff  }
0x2f3: {  	v39 =	vadd.s32 v0, v38  }
0x2f4: {  	v40 =	vld [tilespmem:s18+$0x1840];
	_ =	sdelay $0x2  }
0x2f5: {  	[tilespmem:s18+$0x3820] =	vst v1  }
0x2f6: {  	v1 =	vld.idx.msk [tilespmem:v39+s9+$0x0], $0xffff  }
0x2f7: {  	v41 =	vadd.s32 v0, v40  }
0x2f8: {  	v42 =	vld [tilespmem:s18+$0x1850];
	_ =	sdelay $0x2  }
0x2f9: {  	[tilespmem:s18+$0x3830] =	vst v1  }
0x2fa: {  	v1 =	vld.idx.msk [tilespmem:v41+s9+$0x0], $0xffff  }
0x2fb: {  	v43 =	vadd.s32 v0, v42  }
0x2fc: {  	v44 =	vld [tilespmem:s18+$0x1860];
	_ =	sdelay $0x2  }
0x2fd: {  	[tilespmem:s18+$0x3840] =	vst v1  }
0x2fe: {  	v1 =	vld.idx.msk [tilespmem:v43+s9+$0x0], $0xffff  }
0x2ff: {  	v45 =	vadd.s32 v0, v44  }
0x300: {  	v46 =	vld [tilespmem:s18+$0x1870];
	_ =	sdelay $0x2  }
0x301: {  	[tilespmem:s18+$0x3850] =	vst v1  }
0x302: {  	v1 =	vld.idx.msk [tilespmem:v45+s9+$0x0], $0xffff  }
0x303: {  	v47 =	vadd.s32 v0, v46  }
0x304: {  	v48 =	vld [tilespmem:s18+$0x1C00];
	_ =	sdelay $0x2  }
0x305: {  	[tilespmem:s18+$0x3860] =	vst v1  }
0x306: {  	v1 =	vld.idx.msk [tilespmem:v47+s9+$0x0], $0xffff  }
0x307: {  	v49 =	vadd.s32 v0, v48  }
0x308: {  	v50 =	vld [tilespmem:s18+$0x1C10];
	_ =	sdelay $0x2  }
0x309: {  	[tilespmem:s18+$0x3870] =	vst v1  }
0x30a: {  	v1 =	vld.idx.msk [tilespmem:v49+s9+$0x0], $0xffff  }
0x30b: {  	v51 =	vadd.s32 v0, v50  }
0x30c: {  	v52 =	vld [tilespmem:s18+$0x1C20];
	_ =	sdelay $0x2  }
0x30d: {  	[tilespmem:s18+$0x3C00] =	vst v1  }
0x30e: {  	v1 =	vld.idx.msk [tilespmem:v51+s9+$0x0], $0xffff  }
0x30f: {  	v53 =	vadd.s32 v0, v52  }
0x310: {  	v54 =	vld [tilespmem:s18+$0x1C30];
	_ =	sdelay $0x2  }
0x311: {  	[tilespmem:s18+$0x3C10] =	vst v1  }
0x312: {  	v1 =	vld.idx.msk [tilespmem:v53+s9+$0x0], $0xffff  }
0x313: {  	v55 =	vadd.s32 v0, v54  }
0x314: {  	v56 =	vld [tilespmem:s18+$0x1C40];
	_ =	sdelay $0x2  }
0x315: {  	[tilespmem:s18+$0x3C20] =	vst v1  }
0x316: {  	v1 =	vld.idx.msk [tilespmem:v55+s9+$0x0], $0xffff  }
0x317: {  	v57 =	vadd.s32 v0, v56  }
0x318: {  	v58 =	vld [tilespmem:s18+$0x1C50];
	_ =	sdelay $0x2  }
0x319: {  	[tilespmem:s18+$0x3C30] =	vst v1  }
0x31a: {  	v1 =	vld.idx.msk [tilespmem:v57+s9+$0x0], $0xffff  }
0x31b: {  	v59 =	vadd.s32 v0, v58  }
0x31c: {  	v60 =	vld [tilespmem:s18+$0x1C60];
	_ =	sdelay $0x2  }
0x31d: {  	[tilespmem:s18+$0x3C40] =	vst v1  }
0x31e: {  	v1 =	vld.idx.msk [tilespmem:v59+s9+$0x0], $0xffff  }
0x31f: {  	v61 =	vadd.s32 v0, v60  }
0x320: {  	v62 =	vld [tilespmem:s18+$0x1C70];
	_ =	sdelay $0x2  }
0x321: {  	[tilespmem:s18+$0x3C50] =	vst v1  }
0x322: {  	v1 =	vld.idx.msk [tilespmem:v61+s9+$0x0], $0xffff  }
0x323: {  	v63 =	vadd.s32 v0, v62;
	_ =	sdelay $0x3  }
0x324: {  	[tilespmem:s18+$0x3C60] =	vst v1  }
0x325: {  	v0 =	vld.idx.msk [tilespmem:v63+s9+$0x0], $0xffff  }
0x326: {  	s31 =	smul.u32 $0x64, s15;
	_ =	sdelay $0x1  }
0x327: {  	s16 =	sadd.s32 s14, s31  }
0x328: {  	s15 =	sadd.s32 $0x1, s15;
	s16 =	sshll.u32 s16, $0xA  }
0x329: {  	p0 =	sne.s32 s15, $0x15;
	s16 =	sadd.s32 s6, s16;
	[tilespmem:s18+$0x3C70] =	vst v0  }
0x32a: {  	[hbm4b:s16+s2] =	stream.linear.scatter [tilespmem:s11], [sflag:$0x1], $0x2000, $0x38;
	[tilespmem:$0x4300] =	vst v63  }
.Ltmp6:
0x32b: {  	_ = 	snop;
	(pc) =	sbr.rel @p0 .LBB2_4-.Ltmp6, $4  }
.Ltmp7:
0x32c: {  	_ = 	snop;
	(pc) =	sbr.rel @!p0 .LBB2_7-.Ltmp7, $4  }
0x32d: {  	_ =	swait.ge [sflag:s10], $0x2000  }
0x32e: {  	[sflag:s10] =	ssyncset.done $0x0  }
0x32f: {  	[sflag:s10] =	ssyncadd.s32 $0xFFFFE000  }
0x330: {  	_ = 	snop  }
.LBB2_9:
0x331: {  	_ =	sfence.sel $0x180000  }
0x332: {  	[bflag:$0x0] =	sbarrier.arrive $0xFFFF  }
0x333: {  	p0 =	sne.s32 s4, $0x0;
	_ =	strace $0x90000047  }
0x334: {  	s0 =	sadd.s32 @!p0 $0x100000, s0;
	[bflag:$0x2] =	sbarrier.arrive $0xFFFF  }
0x335: {  	[sflag:s0] =	ssyncadd.tile.s32 @!p0 $0x1;
	_ =	shalt  }
.Lfunc_end2:
_tile_overlayer_lowered:
.L_overlay_start_2:
0x336: {  	(tag) =	ssettag $0x2  }
0x337: {  	s0 =	rddreg [dreg:$0x0];
	s2 =	stileid.u32  }
0x338: {  	s1 =	rddreg [dreg:$0x1];
	p0 =	sne.s32 s2, $0x0  }
0x339: {  	s3 =	rddreg [dreg:$0x2];
	[bflag:$0x3] =	sbarrier.arrive $0xFFFF;
	s2 =	simm.s32 @!p0 $0x1C01  }
0x33a: {  	[timem:s3], [sflag:s2] =	dma.local @!p0 [hbm:s0], s1  }
0x33b: {  	s0 =	simm.s32 @!p0 $0x1  }
0x33c: {  	_ =	swait.ge @!p0 [sflag:s0], s1  }
0x33d: {  	s1 =	ssub.s32 @!p0 $0x0, s1;
	[sflag:s0] =	ssyncset.done @!p0 $0x0  }
0x33e: {  	[sflag:s0] =	ssyncadd.s32 @!p0 s1  }
0x33f: {  	[bflag:$0x3] =	sbarrier.arrive $0xFFFF  }
0x340: {  	_ =	shalt  }

// kernel: sparse-core-data-format-call.cloned.1.call-start
scs
called_computation_lowered:
.L_overlay_start_0:
0x0: {  	s2 =	sld [smem:$0x3FD9]  }
0x1: {  	s3 =	sld [smem:$0x3FFE];
	_ =	sdelay $0x1  }
0x2: {  	s1 =	srdreg.scid  }
0x3: {  	s0 =	sand.u32 $0x1, s1  }
0x4: {  	s18 =	sshll.u32 s0, $0xA;
	s2 =	sadd.s32 s3, s2  }
0x5: {  	s2 =	sadd.s32 s2, s18  }
0x6: {  	[smem:$0x3FC7] =	sst s2  }
0x7: {  	_ = 	snop  }
0x8: {  	s2 =	sld [smem:$0x3FD0];
	(tm) =	ssettm $0x1  }
0x9: {  	s19 =	sld [smem:$0x3FFB];
	_ =	sdelay $0x3  }
0xa: {  	_ =	strace s19  }
0xb: {  	s3 =	sld [smem:$0x3FFC];
	_ =	sdelay $0x3  }
0xc: {  	_ =	strace s3  }
0xd: {  	s3 =	sld [smem:$0x3FFD];
	_ =	sdelay $0x3  }
0xe: {  	_ =	strace s3  }
0xf: {  	_ =	strace $0x8FFFFFFF  }
0x10: {  	s20 =	sld [smem:$0x3FDB];
	_ =	sdelay $0x1  }
0x11: {  	s4 =	simm.s32 $_scs_section_size  }
0x12: {  	s5 =	simm.s32 $_size__tile_overlayer_lowered;
	s6 =	simm.s32 $_tile_overlayer_lowered  }
0x13: {  	s23 =	simm.s32 $0x1BFF;
	s22 =	sshll.u32 s6, $0x1;
	s3 =	sadd.s32 s4, s20  }
0x14: {  	s7 =	simm.s32 $0x0;
	s21 =	sshll.u32 s5, $0x1;
	s5 =	sadd.s32 s22, s3  }
0x15: {  	[timem:s7], [sflag:s23] =	dma.local [hbm:s5], s21  }
0x16: {  	_ =	swait.ge [sflag:s23], s21  }
0x17: {  	s4 =	ssub.s32 $0x0, s21;
	[sflag:s23] =	ssyncset.done $0x0  }
0x18: {  	[sflag:s23] =	ssyncadd.s32 s4;
	_ =	sdelay $0x1  }
0x19: {  	s24 =	simm.s32 $0x1B8B  }
0x1a: {  	_ =	swait.ge [sflag:s24], $0x1  }
0x1b: {  	[sflag:s24] =	ssyncset.done $0x0  }
0x1c: {  	s26 =	simm.s32 $0x1B8E;
	s25 =	sld [smem:$0x3FFE];
	[sflag:s24] =	ssyncadd.s32 $0xFFFFFFFF  }
0x1d: {  	s27 =	simm.s32 $execute0_lowered;
	[smem:$0x3FD2] =	sst s26  }
0x1e: {  	s5 =	sshll.u32 s27, $0x1;
	_ =	strace $0x80000049;
	[dreg:$0x1] =	wrdreg $0xFFFFFFFF  }
0x1f: {  	s28 =	simm.s32 $_size_execute0_lowered;
	s3 =	sadd.s32 s3, s5;
	[dreg:$0x0] =	wrdreg $0x0  }
0x20: {  	s5 =	sshll.u32 s28, $0x1;
	[dreg:$0x2] =	wrdreg s3  }
0x21: {  	[dreg:$0x3] =	wrdreg s5  }
0x22: {  	[dreg:$0x4] =	wrdreg $0xC0  }
0x23: {  	_ =	task [dreg:s7], $0x5FFFF  }
0x24: {  	[dreg:$0x1] =	wrdreg $0xFFFFFFFF  }
0x25: {  	[dreg:$0x0] =	wrdreg $0x60  }
0x26: {  	[dreg:$0x2] =	wrdreg s25  }
0x27: {  	[dreg:$0x3] =	wrdreg s2  }
0x28: {  	[dreg:$0x4] =	wrdreg $0x9  }
0x29: {  	_ =	task.clear_ibuf [dreg:s7], $0x5FFFF;
	_ =	strace $0x90000049  }
0x2a: {  	s29 =	simm.s32 $0x9;
	_ =	strace $0x8000004B  }
0x2b: {  	_ =	swait.ge [sflag:s29], $0x1  }
0x2c: {  	[sflag:s29] =	ssyncadd.s32 $0xFFFFFFFF  }
0x2d: {  	_ =	strace $0x9000004B  }
0x2e: {  	_ =	sfence  }
0x2f: {  	s30 =	sld [smem:$0x0];
	_ =	sdelay $0x2  }
0x30: {  	s31 =	sshll.u32 s1, $0xD;
	s1 =	sshrl.u32 s1, $0x2  }
0x31: {  	s3 =	sand.u32 $0x4000, s31;
	s1 =	sadd.s32 s1, s30  }
0x32: {  	s0 =	sor.u32 s3, s0;
	s1 =	sshll.u32 s1, $0x11  }
0x33: {  	s0 =	sor.u32 s1, s0  }
0x34: {  	s0 =	sadd.s32 $0x8F2B, s0  }
0x35: {  	[sflag:s0] =	ssyncadd.remote.s32 $0x1  }
0x36: {  	_ =	sfence.sel $0xFFFF  }
0x37: {  	[dreg:$0x0] =	wrdreg $0xFFFFFFFF;
	(pc) =	sbr.abs _section_cstart, $3  }
0x38: {  	[dreg:$0x1] =	wrdreg $0xFFFFFFFF  }
0x39: {  	_ =	task.clear_ibuf [dreg:s7], $0x2FFFF;
	_ =	strace $0x9FFFFFFF  }
0x3a: {  	(tm) =	ssettm $0x7FFFFFFF  }
0x3b: {  	_ =	shalt  }
tec
execute0_lowered:
.L_overlay_start_1:
0x0: {  	(tag) =	ssettag $0x1  }
0x1: {  	s0 =	srdreg.scid  }
0x2: {  	s1 =	sshll.u32 s0, $0x4  }
0x3: {  	s4 =	rddreg [dreg:$0x0];
	s0 =	stileid.u32;
	s1 =	sand.u32 $0x10, s1  }
0x4: {  	s2 =	rddreg [dreg:$0x1];
	s7 =	simm.s32 $0x1;
	s1 =	sor.u32 s0, s1  }
0x5: {  	s8 =	simm.s32 $0x2;
	s9 =	simm.s32 $0x0;
	s3 =	sshll.u32 s1, $0x1  }
0x6: {  	s12 =	simm.s32 $0x0;
	s11 =	simm.s32 $0x0;
	s6 =	ssub.s32 $0x834, s3  }
.Ltmp0:
0x7: {  	s4 =	sadd.s32 $0xA00, s4;
	s5 =	sand.u32 $0x3E, s6;
	(pc) =	sbr.rel .LBB1_1-.Ltmp0, $4  }
0x8: {  	s1 =	rddreg [dreg:$0x2];
	_ =	strace $0x8000004A;
	p0 =	sne.s32 s5, $0x0  }
0x9: {  	s6 =	sshrl.u32 s6, $0x6;
	s5 =	simm.s32 $0x1;
	s7 =	simm.s32 @!p0 $0x0  }
0xa: {  	s10 =	smov.u32 s3;
	[sflag:s5] =	ssyncpa.u1 $0x0;
	s6 =	sadd.s32 s7, s6  }
0xb: {  	[sflag:s8] =	ssyncpa.u1 $0x0;
	s8 =	simm.s32 $0x0;
	s7 =	sadd.s32 $0x1, s6  }
.LBB1_9:
0xc: {  	s14 =	sadd.s32 $0x40, s10  }
0xd: {  	p1 =	sgt.s32 s14, $0x833  }
0xe: {  	s14 =	smov.u32 @p1 s3;
	p1 =	sne.s32 s11, s7  }
.Ltmp1:
0xf: {  	p0 =	slt.u32 s11, $0x2;
	(pc) =	sbr.rel @!p1 .LBB1_10-.Ltmp1, $4  }
0x10: {  	s13 =	simm.s32 @!p0 $0x2  }
0x11: {  	s15 =	sadd.s32 $0x1, s11;
	_ =	swait.ge @!p0 [sflag:s13], $0x4000  }
0x12: {  	s12 =	smov.u32 s10;
	s9 =	sadd.s32 $0x4000, s9;
	[sflag:s13] =	ssyncset.done @!p0 $0x0  }
0x13: {  	s11 =	smov.u32 s15;
	s10 =	smov.u32 s14;
	[sflag:s13] =	ssyncadd.s32 @!p0 $0xFFFFC000  }
.LBB1_1:
0x14: {  	p0 =	sge.u32 s11, s6  }
0x15: {  	s13 =	sxor.u32 @!p0 $0xFFFFFFFF, s11  }
0x16: {  	s31 =	sadd.s32 $0xFFFFFFFF, s11;
	s14 =	sshll.u32 @!p0 s10, $0xA;
	s13 =	sshll.u32 @!p0 s13, $0xE  }
0x17: {  	s15 =	simm.s32 @!p0 $0x0;
	s14 =	sadd.s32 @!p0 s4, s14;
	s13 =	sand.u32 @!p0 $0x4000, s13  }
0x18: {  	[tilespmem:s13], [sflag:$0x1] =	stream.linear.gather @!p0 [hbm4b:s14+s15], $0x4000, $0x38;
	[tilespmem:$0x10000] =	vst v63  }
0x19: {  	p0 =	sge.u32 s31, s6  }
.Ltmp2:
0x1a: {  	_ = 	snop;
	(pc) =	sbr.rel @p0 .LBB1_9-.Ltmp2, $1  }
0x1b: {  	_ =	sdelay $0x3  }
0x1c: {  	s13 =	sshll.u32 s9, $0x2  }
0x1d: {  	_ =	swait.ge [sflag:s5], $0x4000;
	s14 =	sshll.u32 s11, $0xE;
	s16 =	simm.s32 $0x0  }
0x1e: {  	p1 =	por $0x1, $0x1;
	s13 =	sand.u32 $0x10000, s13;
	[sflag:s5] =	ssyncset.done $0x0  }
0x1f: {  	s14 =	sand.u32 $0x4000, s14;
	s15 =	sshrl.u32 s13, $0x2;
	[sflag:s5] =	ssyncadd.s32 $0xFFFFC000  }
0x20: {  	s13 =	sor.u32 $0x8000, s14;
	s14 =	sadd.s32 $0x8040, s15;
	s15 =	sadd.s32 $0x40, s15  }
.LBB1_3:
0x21: {  	s16 =	sshll.u32 s16, $0x2  }
0x22: {  	p0 =	por p1, p1;
	s17 =	sshra.s32 s16, $0x2  }
0x23: {  	s18 =	simm.s32 $0x0;
	s16 =	sadd.s32 s17, s14;
	s17 =	sadd.s32 s17, s15  }
.LBB1_4:
0x24: {  	v0 =	vmov s17;
	_ =	sdelay $0x3  }
0x25: {  	s20 =	simm.s32 $0x0  }
0x26: {  	v6 =	vld.idx.msk [tilespmem:v0+s20+$0x30 ss:$0x1], $0xffff  }
0x27: {  	v7 =	vld.idx.msk [tilespmem:v0+s20+$0xFFFFFFC0 ss:$0x1], $0xffff  }
0x28: {  	v5 =	vld.idx.msk [tilespmem:v0+s20+$0xFFFFFFD0 ss:$0x1], $0xffff  }
0x29: {  	v4 =	vld.idx.msk [tilespmem:v0+s20+$0xFFFFFFE0 ss:$0x1], $0xffff  }
0x2a: {  	v3 =	vld.idx.msk [tilespmem:v0+s20+$0xFFFFFFF0 ss:$0x1], $0xffff  }
0x2b: {  	v1 =	vld.idx.msk [tilespmem:v0+s20+$0x0 ss:$0x1], $0xffff  }
0x2c: {  	v2 =	vld.idx.msk [tilespmem:v0+s20+$0x10 ss:$0x1], $0xffff;
	[tilespmem:s16+$0x30] =	vst v6  }
0x2d: {  	s19 =	simm.s32 $0x80;
	s21 =	simm.s32 $0x400;
	[tilespmem:s16+$0xFFFFFFC0] =	vst v7;
	v6 =	vld.idx.msk [tilespmem:v0+s20+$0x20 ss:$0x1], $0xffff;
	s20 =	smov.u32 s16  }
.LBB1_5:
0x2e: {  	p1 =	sne.s32 s21, $0xE00;
	v7 =	vld.idx.msk [tilespmem:v0+s19+$0x30 ss:$0x1], $0xffff;
	[tilespmem:s20+$0xFFFFFFD0] =	vst v5  }
0x2f: {  	v8 =	vld.idx.msk [tilespmem:v0+s19+$0xFFFFFFC0 ss:$0x1], $0xffff;
	[tilespmem:s20+$0xFFFFFFE0] =	vst v4  }
0x30: {  	v5 =	vld.idx.msk [tilespmem:v0+s19+$0xFFFFFFD0 ss:$0x1], $0xffff;
	[tilespmem:s20+$0xFFFFFFF0] =	vst v3  }
.Ltmp3:
0x31: {  	v4 =	vld.idx.msk [tilespmem:v0+s19+$0xFFFFFFE0 ss:$0x1], $0xffff;
	[tilespmem:s20+$0x0] =	vst v1;
	(pc) =	sbr.rel @p1 .LBB1_5-.Ltmp3, $4  }
0x32: {  	v3 =	vld.idx.msk [tilespmem:v0+s19+$0xFFFFFFF0 ss:$0x1], $0xffff;
	[tilespmem:s20+$0x10] =	vst v2  }
0x33: {  	v1 =	vld.idx.msk [tilespmem:v0+s19+$0x0 ss:$0x1], $0xffff;
	[tilespmem:s20+$0x20] =	vst v6;
	s20 =	sadd.s32 $0x400, s20  }
0x34: {  	v2 =	vld.idx.msk [tilespmem:v0+s19+$0x10 ss:$0x1], $0xffff;
	[tilespmem:s20+$0x30] =	vst v7  }
0x35: {  	[tilespmem:s20+$0xFFFFFFC0] =	vst v8;
	v6 =	vld.idx.msk [tilespmem:v0+s19+$0x20 ss:$0x1], $0xffff;
	s19 =	sshra.s32 s21, $0x2;
	s21 =	sadd.s32 $0x200, s21  }
0x36: {  	_ =	sdelay $0x2  }
0x37: {  	[tilespmem:s20+$0xFFFFFFD0] =	vst v5  }
0x38: {  	v56 =	vld.idx.msk [tilespmem:v0+s19+$0x30 ss:$0x1], $0xffff;
	[tilespmem:s20+$0xFFFFFFE0] =	vst v4  }
0x39: {  	v57 =	vld.idx.msk [tilespmem:v0+s19+$0xFFFFFFC0 ss:$0x1], $0xffff;
	[tilespmem:s20+$0xFFFFFFF0] =	vst v3  }
0x3a: {  	v58 =	vld.idx.msk [tilespmem:v0+s19+$0xFFFFFFD0 ss:$0x1], $0xffff;
	[tilespmem:s20+$0x0] =	vst v1  }
0x3b: {  	v59 =	vld.idx.msk [tilespmem:v0+s19+$0xFFFFFFE0 ss:$0x1], $0xffff;
	[tilespmem:s20+$0x10] =	vst v2  }
0x3c: {  	v60 =	vld.idx.msk [tilespmem:v0+s19+$0xFFFFFFF0 ss:$0x1], $0xffff;
	s31 =	sadd.s32 $0x400, s20;
	[tilespmem:s20+$0x20] =	vst v6  }
0x3d: {  	v61 =	vld.idx.msk [tilespmem:v0+s19+$0x0 ss:$0x1], $0xffff;
	[tilespmem:s31+$0x30] =	vst v56  }
0x3e: {  	v62 =	vld.idx.msk [tilespmem:v0+s19+$0x10 ss:$0x1], $0xffff;
	s18 =	sadd.s32 $0x1, s18;
	[tilespmem:s31+$0xFFFFFFC0] =	vst v57  }
0x3f: {  	v63 =	vld.idx.msk [tilespmem:v0+s19+$0x20 ss:$0x1], $0xffff;
	p1 =	sne.s32 s18, $0x8;
	[tilespmem:s31+$0xFFFFFFD0] =	vst v58  }
.Ltmp4:
0x40: {  	[tilespmem:s31+$0xFFFFFFE0] =	vst v59;
	(pc) =	sbr.rel @p1 .LBB1_4-.Ltmp4, $4  }
0x41: {  	[tilespmem:s31+$0xFFFFFFF0] =	vst v60  }
0x42: {  	[tilespmem:s31+$0x0] =	vst v61  }
0x43: {  	[tilespmem:s31+$0x10] =	vst v62  }
0x44: {  	s16 =	sadd.s32 $0x80, s16;
	s17 =	sadd.s32 $0x400, s17;
	[tilespmem:s31+$0x20] =	vst v63  }
.Ltmp5:
0x45: {  	(pc) =	sbr.rel @p0 .LBB1_3-.Ltmp5, $2  }
0x46: {  	_ =	sdelay $0x2  }
0x47: {  	s16 =	simm.s32 $0x2000;
	p1 =	por $0x0, $0x0  }
.Ltmp6:
0x48: {  	(pc) =	sbr.rel .LBB1_9-.Ltmp6, $4  }
0x49: {  	_ = 	snop  }
0x4a: {  	s12 =	sshll.u32 s12, $0xA  }
0x4b: {  	s12 =	sadd.s32 s2, s12  }
0x4c: {  	[hbm4b:s12+s8] =	stream.linear.scatter [tilespmem:s13], [sflag:$0x2], $0x4000, $0x38;
	[tilespmem:$0x10000] =	vst v63  }
.LBB1_10:
0x4d: {  	_ =	sfence.sel $0x180000  }
0x4e: {  	s2 =	simm.s32 $0x1;
	[bflag:$0x0] =	sbarrier.arrive $0xFFFF  }
0x4f: {  	s31 =	simm.s32 $0x2;
	[sflag:s2] =	ssyncpa.u1 $0x1  }
0x50: {  	[sflag:s31] =	ssyncpa.u1 $0x1  }
0x51: {  	p0 =	sne.s32 s0, $0x0;
	_ =	strace $0x9000004A  }
0x52: {  	s0 =	sadd.s32 @!p0 $0x100000, s1;
	[bflag:$0x2] =	sbarrier.arrive $0xFFFF  }
0x53: {  	[sflag:s0] =	ssyncadd.tile.s32 @!p0 $0x1;
	_ =	shalt  }
.Lfunc_end1:
_tile_overlayer_lowered:
.L_overlay_start_2:
0x54: {  	(tag) =	ssettag $0x2  }
0x55: {  	s0 =	rddreg [dreg:$0x0];
	s2 =	stileid.u32  }
0x56: {  	s1 =	rddreg [dreg:$0x1];
	p0 =	sne.s32 s2, $0x0  }
0x57: {  	s3 =	rddreg [dreg:$0x2];
	[bflag:$0x3] =	sbarrier.arrive $0xFFFF;
	s2 =	simm.s32 @!p0 $0x1C01  }
0x58: {  	[timem:s3], [sflag:s2] =	dma.local @!p0 [hbm:s0], s1  }
0x59: {  	s0 =	simm.s32 @!p0 $0x1  }
0x5a: {  	_ =	swait.ge @!p0 [sflag:s0], s1  }
0x5b: {  	s1 =	ssub.s32 @!p0 $0x0, s1;
	[sflag:s0] =	ssyncset.done @!p0 $0x0  }
0x5c: {  	[sflag:s0] =	ssyncadd.s32 @!p0 s1  }
0x5d: {  	[bflag:$0x3] =	sbarrier.arrive $0xFFFF  }
0x5e: {  	_ =	shalt  }

</sc_bundles>
